<compile_context>
chip_gen: v7x
topology: tpu7x:2x2x1
jax: 0.10.2.dev20260603
libtpu: 0.0.44.dev20260713+nightly
codegen_flags: <defaults>
</compile_context>

<pallas_src>
import jax
import jax.numpy as jnp
from jax import lax
from jax.experimental import pallas as pl
from jax.experimental.pallas import tpu as pltpu
from jax.experimental.pallas import tpu_sc as plsc

_DIM = 512
_VOCAB = 209
_P = 16
_NW = 32
_NC = 2
_CH = 16
_LANES = 16


def _body(idx_hbm, emb2d_hbm, emb_flat_hbm, *rest):
    outs = rest[:_P]
    tab_v, idx_v, buf_s, buf_c, sem_g, sem_ss, sem_sc = rest[_P:]

    n_idx = idx_v.shape[0]
    rows_per_w = n_idx // _P
    n_g = rows_per_w // (2 * _CH)

    wid = lax.axis_index("s") * _NC + lax.axis_index("c")
    base = wid * rows_per_w

    pltpu.sync_copy(emb_flat_hbm, tab_v)
    pltpu.sync_copy(idx_hbm.at[wid], idx_v)

    lane = jnp.arange(_LANES, dtype=jnp.int32)

    def construct(local):
        idxvec = idx_v[pl.ds(local, _CH)]

        @plsc.parallel_loop(0, _CH, step=1, unroll=2)
        def _(i):
            bcast = idxvec.at[jnp.full((_LANES,), i, jnp.int32)].get(
                mode="promise_in_bounds")
            rowoff = bcast * _DIM + lane
            for j in range(_DIM // _LANES):
                buf_c[i, pl.ds(j * _LANES, _LANES)] = (
                    plsc.load_gather(tab_v, [rowoff + j * _LANES]))

    def wait_sem(buf, sem):
        pltpu.make_async_copy(buf, outs[0].at[pl.ds(0, _CH)], sem).wait()

    pltpu.async_copy(buf_s, outs[0].at[pl.ds(base, _CH)], sem_ss)
    pltpu.async_copy(buf_c, outs[0].at[pl.ds(base + _CH, _CH)], sem_sc)

    @pl.loop(0, _P * n_g)
    def _(gk):
        slot = gk // n_g
        local = gk * (2 * _CH)
        row = base + (gk % n_g) * (2 * _CH)
        wait_sem(buf_s, sem_ss)
        gh = pltpu.async_copy(
            emb2d_hbm.at[idx_v.at[pl.ds(local, _CH)]], buf_s, sem_g)
        wait_sem(buf_c, sem_sc)
        construct(local + _CH)
        for si in range(_P):
            @pl.when(slot == si)
            def _():
                pltpu.async_copy(
                    buf_c, outs[si].at[pl.ds(row + _CH, _CH)], sem_sc)
        gh.wait()
        for si in range(_P):
            @pl.when(slot == si)
            def _():
                pltpu.async_copy(
                    buf_s, outs[si].at[pl.ds(row, _CH)], sem_ss)

    wait_sem(buf_s, sem_ss)
    wait_sem(buf_c, sem_sc)


def kernel(path, embed):
    b, s, p = path.shape
    n = b * s
    rows_per_w = n // _NW

    idx = jnp.transpose(path.reshape(n, p)).reshape(p, _NW, rows_per_w)
    idx = jnp.transpose(idx, (1, 0, 2)).reshape(_NW, p * rows_per_w)

    mesh = plsc.VectorSubcoreMesh(core_axis_name="c", subcore_axis_name="s")
    run = pl.kernel(
        _body,
        out_type=[jax.ShapeDtypeStruct((n, _DIM), jnp.float32)] * _P,
        mesh=mesh,
        compiler_params=pltpu.CompilerParams(needs_layout_passes=False),
        scratch_types=(
            [pltpu.VMEM((_VOCAB * _DIM,), jnp.float32),
             pltpu.VMEM((p * rows_per_w,), jnp.int32),
             pltpu.VMEM((_CH, _DIM), jnp.float32),
             pltpu.VMEM((_CH, _DIM), jnp.float32)]
            + [pltpu.SemaphoreType.DMA] * 3
        ),
    )
    outs = run(idx, embed, embed.reshape(-1))
    return tuple(o.reshape(b, s, _DIM) for o in outs)

# --- scband reference (transcript-rebuilt; emitter-appended) ---
"""Pipeline reference for scband-path-embed-42855183679802 (READ-ONLY COPY).

The authoritative reference and input builder live on the scoring server;
editing this copy changes nothing except your own understanding.
"""

import jax, jax.numpy as jnp
import numpy as np

DIM = 512
VOCAB = 11 * 19

def setup_inputs(seed: int = 0) -> dict:
    key = jax.random.key(seed)
    k1, k2 = jax.random.split(key)
    path = jax.random.randint(k1, (4, 2048, 16), 0, VOCAB, dtype=jnp.int32)
    embed = jax.random.normal(k2, (VOCAB, DIM), dtype=jnp.float32) * 0.02
    return {"path": path, "embed": embed}

def reference(path, embed):
    batch_size, seq_length = path.shape[0], path.shape[1]
    flat = path.reshape((batch_size * seq_length,) + path.shape[2:])
    P = flat.shape[1]
    paths = []
    for i in range(P):
        path_split = flat[:, i:i + 1]
        emb = jnp.take(embed, path_split, axis=0)
        paths.append(emb.reshape(batch_size, seq_length, -1))
    return tuple(paths)

if __name__ == "__main__":
    import jax
    _d = setup_inputs()
    print(jax.jit(kernel)(*tuple(_d.values())))

</pallas_src>

<mosaic_0001>
#map = affine_map<(d0, d1) -> (0, 0)>
#map1 = affine_map<(d0, d1) -> (0)>
module attributes {stable_mosaic.version = 14 : i64} {
  func.func @_body(%arg0: i32, %arg1: i32, %arg2: memref<32x4096xi32, #tpu.memory_space<hbm>>, %arg3: memref<209x512xf32, #tpu.memory_space<hbm>>, %arg4: memref<107008xf32, #tpu.memory_space<hbm>>, %arg5: memref<8192x512xf32, #tpu.memory_space<hbm>>, %arg6: memref<8192x512xf32, #tpu.memory_space<hbm>>, %arg7: memref<8192x512xf32, #tpu.memory_space<hbm>>, %arg8: memref<8192x512xf32, #tpu.memory_space<hbm>>, %arg9: memref<8192x512xf32, #tpu.memory_space<hbm>>, %arg10: memref<8192x512xf32, #tpu.memory_space<hbm>>, %arg11: memref<8192x512xf32, #tpu.memory_space<hbm>>, %arg12: memref<8192x512xf32, #tpu.memory_space<hbm>>, %arg13: memref<8192x512xf32, #tpu.memory_space<hbm>>, %arg14: memref<8192x512xf32, #tpu.memory_space<hbm>>, %arg15: memref<8192x512xf32, #tpu.memory_space<hbm>>, %arg16: memref<8192x512xf32, #tpu.memory_space<hbm>>, %arg17: memref<8192x512xf32, #tpu.memory_space<hbm>>, %arg18: memref<8192x512xf32, #tpu.memory_space<hbm>>, %arg19: memref<8192x512xf32, #tpu.memory_space<hbm>>, %arg20: memref<8192x512xf32, #tpu.memory_space<hbm>>, %arg21: memref<107008xf32, #tpu.memory_space<vmem>>, %arg22: memref<4096xi32, #tpu.memory_space<vmem>>, %arg23: memref<16x512xf32, #tpu.memory_space<vmem>>, %arg24: memref<16x512xf32, #tpu.memory_space<vmem>>, %arg25: memref<!tpu.dma_semaphore, #tpu.memory_space<semaphore_mem>>, %arg26: memref<!tpu.dma_semaphore, #tpu.memory_space<semaphore_mem>>, %arg27: memref<!tpu.dma_semaphore, #tpu.memory_space<semaphore_mem>>) attributes {dimension_semantics = [#tpu.dimension_semantics<core_parallel>, #tpu.dimension_semantics<subcore_parallel>], iteration_bounds = array<i64: 2, 16>, scalar_prefetch = 0 : i64, scratch_operands = 7 : i64, tpu.core_type = #tpu.core_type<sc_vector_subcore>, window_params = [{transform_indices = #map}, {transform_indices = #map}, {transform_indices = #map1}, {transform_indices = #map}, {transform_indices = #map}, {transform_indices = #map}, {transform_indices = #map}, {transform_indices = #map}, {transform_indices = #map}, {transform_indices = #map}, {transform_indices = #map}, {transform_indices = #map}, {transform_indices = #map}, {transform_indices = #map}, {transform_indices = #map}, {transform_indices = #map}, {transform_indices = #map}, {transform_indices = #map}, {transform_indices = #map}]} {
    %mul3A = arith.constant 2 : i32
    %mul3A_0 = arith.muli %arg1, %mul3A : i32
    %add3A = arith.addi %mul3A_0, %arg0 : i32
    %mul3A_1 = arith.constant 256 : i32
    %mul3A_2 = arith.muli %add3A, %mul3A_1 : i32
    "tpu.region"() ({
      %run_scoped3A = tpu.sem_alloc : memref<!tpu.dma_semaphore, #tpu.memory_space<semaphore_mem>>
      tpu.enqueue_dma source(%arg4 : memref<107008xf32, #tpu.memory_space<hbm>>) target(%arg21 : memref<107008xf32, #tpu.memory_space<vmem>>) target_semaphore(%run_scoped3A : memref<!tpu.dma_semaphore, #tpu.memory_space<semaphore_mem>>)
      tpu.wait_dma2 semaphore(%run_scoped3A : memref<!tpu.dma_semaphore, #tpu.memory_space<semaphore_mem>>) src(%arg4 : memref<107008xf32, #tpu.memory_space<hbm>>) dst(%arg21 : memref<107008xf32, #tpu.memory_space<vmem>>)
      tpu.yield
    }) : () -> ()
    "tpu.region"() ({
      %run_scoped3A = tpu.sem_alloc : memref<!tpu.dma_semaphore, #tpu.memory_space<semaphore_mem>>
      %dma_start3A_27 = arith.constant 0 : i32
      %dma_start3A_28 = tpu.memref_slice %arg2[%add3A, %dma_start3A_27] : memref<32x4096xi32, #tpu.memory_space<hbm>> -> memref<1x4096xi32, #tpu.memory_space<hbm>>
      %dma_start3A_29 = tpu.memref_squeeze %dma_start3A_28 : memref<1x4096xi32, #tpu.memory_space<hbm>> -> memref<4096xi32, #tpu.memory_space<hbm>>
      %dma_start3A_30 = arith.constant 0 : i32
      %dma_start3A_31 = tpu.memref_slice %arg2[%add3A, %dma_start3A_30] : memref<32x4096xi32, #tpu.memory_space<hbm>> -> memref<1x4096xi32, #tpu.memory_space<hbm>>
      %dma_start3A_32 = tpu.memref_squeeze %dma_start3A_31 : memref<1x4096xi32, #tpu.memory_space<hbm>> -> memref<4096xi32, #tpu.memory_space<hbm>>
      tpu.enqueue_dma source(%dma_start3A_32 : memref<4096xi32, #tpu.memory_space<hbm>>) target(%arg22 : memref<4096xi32, #tpu.memory_space<vmem>>) target_semaphore(%run_scoped3A : memref<!tpu.dma_semaphore, #tpu.memory_space<semaphore_mem>>)
      %dma_wait3A_33 = arith.constant 0 : i32
      %dma_wait3A_34 = tpu.memref_slice %arg2[%add3A, %dma_wait3A_33] : memref<32x4096xi32, #tpu.memory_space<hbm>> -> memref<1x4096xi32, #tpu.memory_space<hbm>>
      %dma_wait3A_35 = tpu.memref_squeeze %dma_wait3A_34 : memref<1x4096xi32, #tpu.memory_space<hbm>> -> memref<4096xi32, #tpu.memory_space<hbm>>
      %dma_wait3A_36 = arith.constant 0 : i32
      %dma_wait3A_37 = tpu.memref_slice %arg2[%add3A, %dma_wait3A_36] : memref<32x4096xi32, #tpu.memory_space<hbm>> -> memref<1x4096xi32, #tpu.memory_space<hbm>>
      %dma_wait3A_38 = tpu.memref_squeeze %dma_wait3A_37 : memref<1x4096xi32, #tpu.memory_space<hbm>> -> memref<4096xi32, #tpu.memory_space<hbm>>
      tpu.wait_dma2 semaphore(%run_scoped3A : memref<!tpu.dma_semaphore, #tpu.memory_space<semaphore_mem>>) src(%dma_wait3A_38 : memref<4096xi32, #tpu.memory_space<hbm>>) dst(%arg22 : memref<4096xi32, #tpu.memory_space<vmem>>)
      tpu.yield
    }) : () -> ()
    %iota3A = tpu.iota {dimensions = array<i32: 0>} : vector<16xi32>
    %dma_start3A = arith.constant 0 : i32
    %dma_start3A_3 = tpu.memref_slice %arg5[%mul3A_2, %dma_start3A] : memref<8192x512xf32, #tpu.memory_space<hbm>> -> memref<16x512xf32, #tpu.memory_space<hbm>>
    %dma_start3A_4 = arith.constant 0 : i32
    %dma_start3A_5 = tpu.memref_slice %arg5[%mul3A_2, %dma_start3A_4] : memref<8192x512xf32, #tpu.memory_space<hbm>> -> memref<16x512xf32, #tpu.memory_space<hbm>>
    tpu.enqueue_dma source(%arg23 : memref<16x512xf32, #tpu.memory_space<vmem>>) target(%dma_start3A_5 : memref<16x512xf32, #tpu.memory_space<hbm>>) target_semaphore(%arg26 : memref<!tpu.dma_semaphore, #tpu.memory_space<semaphore_mem>>)
    %add3A_6 = arith.constant 16 : i32
    %add3A_7 = arith.addi %mul3A_2, %add3A_6 : i32
    %dma_start3A_8 = arith.constant 0 : i32
    %dma_start3A_9 = tpu.memref_slice %arg5[%add3A_7, %dma_start3A_8] : memref<8192x512xf32, #tpu.memory_space<hbm>> -> memref<16x512xf32, #tpu.memory_space<hbm>>
    %dma_start3A_10 = arith.constant 0 : i32
    %dma_start3A_11 = tpu.memref_slice %arg5[%add3A_7, %dma_start3A_10] : memref<8192x512xf32, #tpu.memory_space<hbm>> -> memref<16x512xf32, #tpu.memory_space<hbm>>
    tpu.enqueue_dma source(%arg24 : memref<16x512xf32, #tpu.memory_space<vmem>>) target(%dma_start3A_11 : memref<16x512xf32, #tpu.memory_space<hbm>>) target_semaphore(%arg27 : memref<!tpu.dma_semaphore, #tpu.memory_space<semaphore_mem>>)
    %scan3A = arith.constant 0 : i32
    %scan3A_12 = arith.constant 128 : i32
    %scan3A_13 = arith.addi %scan3A, %scan3A_12 : i32
    %scan3A_14 = arith.constant 1 : i32
    scf.for %scan3A_27 = %scan3A to %scan3A_13 step %scan3A_14  : i32 {
      %mul3A_28 = arith.constant 1 : i32
      %mul3A_29 = arith.muli %scan3A_27, %mul3A_28 : i32
      %add3A_30 = arith.constant 0 : i32
      %add3A_31 = arith.addi %add3A_30, %mul3A_29 : i32
      %jit3A = arith.constant 8 : i32
      %div3A = arith.divsi %add3A_31, %jit3A : i32
      %sign3A = arith.constant 0 : i32
      %sign3A_32 = arith.cmpi sgt, %add3A_31, %sign3A : i32
      %sign3A_33 = arith.extui %sign3A_32 : i1 to i32
      %sign3A_34 = arith.constant 0 : i32
      %sign3A_35 = arith.cmpi slt, %add3A_31, %sign3A_34 : i32
      %sign3A_36 = arith.extui %sign3A_35 : i1 to i32
      %sign3A_37 = arith.subi %sign3A_33, %sign3A_36 : i32
      %sign3A_38 = arith.constant 0 : i32
      %sign3A_39 = arith.cmpi sgt, %jit3A, %sign3A_38 : i32
      %sign3A_40 = arith.extui %sign3A_39 : i1 to i32
      %sign3A_41 = arith.constant 0 : i32
      %sign3A_42 = arith.cmpi slt, %jit3A, %sign3A_41 : i32
      %sign3A_43 = arith.extui %sign3A_42 : i1 to i32
      %sign3A_44 = arith.subi %sign3A_40, %sign3A_43 : i32
      %ne3A = arith.cmpi ne, %sign3A_37, %sign3A_44 : i32
      %rem3A = arith.remsi %add3A_31, %jit3A : i32
      %ne3A_45 = arith.constant 0 : i32
      %ne3A_46 = arith.cmpi ne, %rem3A, %ne3A_45 : i32
      %and3A = arith.andi %ne3A, %ne3A_46 : i1
      %sub3A = arith.constant 1 : i32
      %sub3A_47 = arith.subi %div3A, %sub3A : i32
      %select_n3A = arith.select %and3A, %sub3A_47, %div3A : i32
      %mul3A_48 = arith.constant 32 : i32
      %mul3A_49 = arith.muli %add3A_31, %mul3A_48 : i32
      %jit3A_50 = arith.constant 8 : i32
      %eq3A = arith.constant 0 : i32
      %eq3A_51 = arith.cmpi eq, %jit3A_50, %eq3A : i32
      %jit3A_52 = arith.constant 1 : i32
      %select_n3A_53 = arith.select %eq3A_51, %jit3A_52, %jit3A_50 : i32
      %rem3A_54 = arith.remsi %add3A_31, %select_n3A_53 : i32
      %ne3A_55 = arith.constant 0 : i32
      %ne3A_56 = arith.cmpi ne, %rem3A_54, %ne3A_55 : i32
      %lt3A = arith.constant 0 : i32
      %lt3A_57 = arith.cmpi slt, %rem3A_54, %lt3A : i32
      %lt3A_58 = arith.constant 0 : i32
      %lt3A_59 = arith.cmpi slt, %select_n3A_53, %lt3A_58 : i32
      %ne3A_60 = arith.xori %lt3A_57, %lt3A_59 : i1
      %and3A_61 = arith.andi %ne3A_60, %ne3A_56 : i1
      %add3A_62 = arith.addi %rem3A_54, %select_n3A_53 : i32
      %select_n3A_63 = arith.select %and3A_61, %add3A_62, %rem3A_54 : i32
      %mul3A_64 = arith.constant 32 : i32
      %mul3A_65 = arith.muli %select_n3A_63, %mul3A_64 : i32
      %add3A_66 = arith.addi %mul3A_2, %mul3A_65 : i32
      %dma_wait3A_67 = arith.constant 0 : i32
      %dma_wait3A_68 = arith.constant 0 : i32
      %dma_wait3A_69 = tpu.memref_slice %arg5[%dma_wait3A_67, %dma_wait3A_68] : memref<8192x512xf32, #tpu.memory_space<hbm>> -> memref<16x512xf32, #tpu.memory_space<hbm>>
      %dma_wait3A_70 = arith.constant 0 : i32
      %dma_wait3A_71 = arith.constant 0 : i32
      %dma_wait3A_72 = tpu.memref_slice %arg5[%dma_wait3A_70, %dma_wait3A_71] : memref<8192x512xf32, #tpu.memory_space<hbm>> -> memref<16x512xf32, #tpu.memory_space<hbm>>
      tpu.wait_dma2 semaphore(%arg26 : memref<!tpu.dma_semaphore, #tpu.memory_space<semaphore_mem>>) src(%arg23 : memref<16x512xf32, #tpu.memory_space<vmem>>) dst(%dma_wait3A_72 : memref<16x512xf32, #tpu.memory_space<hbm>>)
      %dma_start3A_73 = tpu.memref_slice %arg22[%mul3A_49] : memref<4096xi32, #tpu.memory_space<vmem>> -> memref<16xi32, #tpu.memory_space<vmem>>
      %dma_start3A_74 = arith.constant 0 : i32
      %dma_start3A_75 = arith.constant 0 : i32
      %dma_start3A_76 = tpu.memref_slice %arg3[%dma_start3A_74, %dma_start3A_75] : memref<209x512xf32, #tpu.memory_space<hbm>> -> memref<209x512xf32, #tpu.memory_space<hbm>>
      tpu.enqueue_indirect_dma source(%dma_start3A_76 : memref<209x512xf32, #tpu.memory_space<hbm>>) target(%arg23 : memref<16x512xf32, #tpu.memory_space<vmem>>) offsets(%dma_start3A_73 : memref<16xi32, #tpu.memory_space<vmem>>) semaphore(%arg25 : memref<!tpu.dma_semaphore, #tpu.memory_space<semaphore_mem>>)
      %dma_wait3A_77 = arith.constant 0 : i32
      %dma_wait3A_78 = arith.constant 0 : i32
      %dma_wait3A_79 = tpu.memref_slice %arg5[%dma_wait3A_77, %dma_wait3A_78] : memref<8192x512xf32, #tpu.memory_space<hbm>> -> memref<16x512xf32, #tpu.memory_space<hbm>>
      %dma_wait3A_80 = arith.constant 0 : i32
      %dma_wait3A_81 = arith.constant 0 : i32
      %dma_wait3A_82 = tpu.memref_slice %arg5[%dma_wait3A_80, %dma_wait3A_81] : memref<8192x512xf32, #tpu.memory_space<hbm>> -> memref<16x512xf32, #tpu.memory_space<hbm>>
      tpu.wait_dma2 semaphore(%arg27 : memref<!tpu.dma_semaphore, #tpu.memory_space<semaphore_mem>>) src(%arg24 : memref<16x512xf32, #tpu.memory_space<vmem>>) dst(%dma_wait3A_82 : memref<16x512xf32, #tpu.memory_space<hbm>>)
      %add3A_83 = arith.constant 16 : i32
      %add3A_84 = arith.addi %mul3A_49, %add3A_83 : i32
      %get3A = arith.index_cast %add3A_84 : i32 to index
      %get3A_85 = tpu.vector_load %arg22[%get3A] {strides = array<i32>} : memref<4096xi32, #tpu.memory_space<vmem>>, vector<16xi32>,
      %parallel_loop3A = arith.constant 0 : i32
      %parallel_loop3A_86 = arith.constant 16 : i32
      %parallel_loop3A_87 = arith.constant 1 : i32
      scf.for %parallel_loop3A_250 = %parallel_loop3A to %parallel_loop3A_86 step %parallel_loop3A_87  : i32 {
        %parallel_loop3A_251 = vector.broadcast %parallel_loop3A_250 : i32 to vector<16xi32>
        %parallel_loop3A_252 = arith.constant 0 : i32
        %parallel_loop3A_253 = vector.broadcast %parallel_loop3A_252 : i32 to vector<16xi32>
        %parallel_loop3A_254 = arith.cmpi slt, %parallel_loop3A_251, %parallel_loop3A_253 : vector<16xi32>
        %parallel_loop3A_255 = arith.constant 16 : i32
        %parallel_loop3A_256 = vector.broadcast %parallel_loop3A_255 : i32 to vector<16xi32>
        %parallel_loop3A_257 = arith.addi %parallel_loop3A_251, %parallel_loop3A_256 : vector<16xi32>
        %parallel_loop3A_258 = arith.select %parallel_loop3A_254, %parallel_loop3A_257, %parallel_loop3A_251 : vector<16xi1>, vector<16xi32>
        %parallel_loop3A_259 = vector.shape_cast %parallel_loop3A_258 : vector<16xi32> to vector<16x1xi32>
        %parallel_loop3A_260 = vector.shape_cast %parallel_loop3A_259 : vector<16x1xi32> to vector<16xi32>
        %parallel_loop3A_261 = tpu.dynamic_gather %get3A_85[%parallel_loop3A_260] in [0] : vector<16xi32>, vector<16xi32> -> vector<16xi32>
        %parallel_loop3A_262 = arith.constant 512 : i32
        %parallel_loop3A_263 = vector.broadcast %parallel_loop3A_262 : i32 to vector<16xi32>
        %parallel_loop3A_264 = arith.muli %parallel_loop3A_261, %parallel_loop3A_263 : vector<16xi32>
        %parallel_loop3A_265 = arith.addi %parallel_loop3A_264, %iota3A : vector<16xi32>
        %parallel_loop3A_266 = arith.constant 0 : i32
        %parallel_loop3A_267 = vector.broadcast %parallel_loop3A_266 : i32 to vector<16xi32>
        %parallel_loop3A_268 = arith.addi %parallel_loop3A_265, %parallel_loop3A_267 : vector<16xi32>
        %parallel_loop3A_269 = tpu.vector_load_idx %arg21[%parallel_loop3A_268] : memref<107008xf32, #tpu.memory_space<vmem>>[vector<16xi32>], vector<16xf32>,
        %parallel_loop3A_270 = arith.index_cast %parallel_loop3A_250 : i32 to index
        %parallel_loop3A_271 = arith.constant 0 : index
        %parallel_loop3A_272 = tpu.vector_load %arg24[%parallel_loop3A_270, %parallel_loop3A_271] {strides = array<i32>} : memref<16x512xf32, #tpu.memory_space<vmem>>, vector<16xf32>,
        tpu.vector_store %arg24[%parallel_loop3A_270, %parallel_loop3A_271], %parallel_loop3A_269 {strides = array<i32>} : memref<16x512xf32, #tpu.memory_space<vmem>>, vector<16xf32>,
        %parallel_loop3A_273 = arith.constant 16 : i32
        %parallel_loop3A_274 = vector.broadcast %parallel_loop3A_273 : i32 to vector<16xi32>
        %parallel_loop3A_275 = arith.addi %parallel_loop3A_265, %parallel_loop3A_274 : vector<16xi32>
        %parallel_loop3A_276 = tpu.vector_load_idx %arg21[%parallel_loop3A_275] : memref<107008xf32, #tpu.memory_space<vmem>>[vector<16xi32>], vector<16xf32>,
        %parallel_loop3A_277 = arith.index_cast %parallel_loop3A_250 : i32 to index
        %parallel_loop3A_278 = arith.constant 16 : index
        %parallel_loop3A_279 = tpu.vector_load %arg24[%parallel_loop3A_277, %parallel_loop3A_278] {strides = array<i32>} : memref<16x512xf32, #tpu.memory_space<vmem>>, vector<16xf32>,
        tpu.vector_store %arg24[%parallel_loop3A_277, %parallel_loop3A_278], %parallel_loop3A_276 {strides = array<i32>} : memref<16x512xf32, #tpu.memory_space<vmem>>, vector<16xf32>,
        %parallel_loop3A_280 = arith.constant 32 : i32
        %parallel_loop3A_281 = vector.broadcast %parallel_loop3A_280 : i32 to vector<16xi32>
        %parallel_loop3A_282 = arith.addi %parallel_loop3A_265, %parallel_loop3A_281 : vector<16xi32>
        %parallel_loop3A_283 = tpu.vector_load_idx %arg21[%parallel_loop3A_282] : memref<107008xf32, #tpu.memory_space<vmem>>[vector<16xi32>], vector<16xf32>,
        %parallel_loop3A_284 = arith.index_cast %parallel_loop3A_250 : i32 to index
        %parallel_loop3A_285 = arith.constant 32 : index
        %parallel_loop3A_286 = tpu.vector_load %arg24[%parallel_loop3A_284, %parallel_loop3A_285] {strides = array<i32>} : memref<16x512xf32, #tpu.memory_space<vmem>>, vector<16xf32>,
        tpu.vector_store %arg24[%parallel_loop3A_284, %parallel_loop3A_285], %parallel_loop3A_283 {strides = array<i32>} : memref<16x512xf32, #tpu.memory_space<vmem>>, vector<16xf32>,
        %parallel_loop3A_287 = arith.constant 48 : i32
        %parallel_loop3A_288 = vector.broadcast %parallel_loop3A_287 : i32 to vector<16xi32>
        %parallel_loop3A_289 = arith.addi %parallel_loop3A_265, %parallel_loop3A_288 : vector<16xi32>
        %parallel_loop3A_290 = tpu.vector_load_idx %arg21[%parallel_loop3A_289] : memref<107008xf32, #tpu.memory_space<vmem>>[vector<16xi32>], vector<16xf32>,
        %parallel_loop3A_291 = arith.index_cast %parallel_loop3A_250 : i32 to index
        %parallel_loop3A_292 = arith.constant 48 : index
        %parallel_loop3A_293 = tpu.vector_load %arg24[%parallel_loop3A_291, %parallel_loop3A_292] {strides = array<i32>} : memref<16x512xf32, #tpu.memory_space<vmem>>, vector<16xf32>,
        tpu.vector_store %arg24[%parallel_loop3A_291, %parallel_loop3A_292], %parallel_loop3A_290 {strides = array<i32>} : memref<16x512xf32, #tpu.memory_space<vmem>>, vector<16xf32>,
        %parallel_loop3A_294 = arith.constant 64 : i32
        %parallel_loop3A_295 = vector.broadcast %parallel_loop3A_294 : i32 to vector<16xi32>
        %parallel_loop3A_296 = arith.addi %parallel_loop3A_265, %parallel_loop3A_295 : vector<16xi32>
        %parallel_loop3A_297 = tpu.vector_load_idx %arg21[%parallel_loop3A_296] : memref<107008xf32, #tpu.memory_space<vmem>>[vector<16xi32>], vector<16xf32>,
        %parallel_loop3A_298 = arith.index_cast %parallel_loop3A_250 : i32 to index
        %parallel_loop3A_299 = arith.constant 64 : index
        %parallel_loop3A_300 = tpu.vector_load %arg24[%parallel_loop3A_298, %parallel_loop3A_299] {strides = array<i32>} : memref<16x512xf32, #tpu.memory_space<vmem>>, vector<16xf32>,
        tpu.vector_store %arg24[%parallel_loop3A_298, %parallel_loop3A_299], %parallel_loop3A_297 {strides = array<i32>} : memref<16x512xf32, #tpu.memory_space<vmem>>, vector<16xf32>,
        %parallel_loop3A_301 = arith.constant 80 : i32
        %parallel_loop3A_302 = vector.broadcast %parallel_loop3A_301 : i32 to vector<16xi32>
        %parallel_loop3A_303 = arith.addi %parallel_loop3A_265, %parallel_loop3A_302 : vector<16xi32>
        %parallel_loop3A_304 = tpu.vector_load_idx %arg21[%parallel_loop3A_303] : memref<107008xf32, #tpu.memory_space<vmem>>[vector<16xi32>], vector<16xf32>,
        %parallel_loop3A_305 = arith.index_cast %parallel_loop3A_250 : i32 to index
        %parallel_loop3A_306 = arith.constant 80 : index
        %parallel_loop3A_307 = tpu.vector_load %arg24[%parallel_loop3A_305, %parallel_loop3A_306] {strides = array<i32>} : memref<16x512xf32, #tpu.memory_space<vmem>>, vector<16xf32>,
        tpu.vector_store %arg24[%parallel_loop3A_305, %parallel_loop3A_306], %parallel_loop3A_304 {strides = array<i32>} : memref<16x512xf32, #tpu.memory_space<vmem>>, vector<16xf32>,
        %parallel_loop3A_308 = arith.constant 96 : i32
        %parallel_loop3A_309 = vector.broadcast %parallel_loop3A_308 : i32 to vector<16xi32>
        %parallel_loop3A_310 = arith.addi %parallel_loop3A_265, %parallel_loop3A_309 : vector<16xi32>
        %parallel_loop3A_311 = tpu.vector_load_idx %arg21[%parallel_loop3A_310] : memref<107008xf32, #tpu.memory_space<vmem>>[vector<16xi32>], vector<16xf32>,
        %parallel_loop3A_312 = arith.index_cast %parallel_loop3A_250 : i32 to index
        %parallel_loop3A_313 = arith.constant 96 : index
        %parallel_loop3A_314 = tpu.vector_load %arg24[%parallel_loop3A_312, %parallel_loop3A_313] {strides = array<i32>} : memref<16x512xf32, #tpu.memory_space<vmem>>, vector<16xf32>,
        tpu.vector_store %arg24[%parallel_loop3A_312, %parallel_loop3A_313], %parallel_loop3A_311 {strides = array<i32>} : memref<16x512xf32, #tpu.memory_space<vmem>>, vector<16xf32>,
        %parallel_loop3A_315 = arith.constant 112 : i32
        %parallel_loop3A_316 = vector.broadcast %parallel_loop3A_315 : i32 to vector<16xi32>
        %parallel_loop3A_317 = arith.addi %parallel_loop3A_265, %parallel_loop3A_316 : vector<16xi32>
        %parallel_loop3A_318 = tpu.vector_load_idx %arg21[%parallel_loop3A_317] : memref<107008xf32, #tpu.memory_space<vmem>>[vector<16xi32>], vector<16xf32>,
        %parallel_loop3A_319 = arith.index_cast %parallel_loop3A_250 : i32 to index
        %parallel_loop3A_320 = arith.constant 112 : index
        %parallel_loop3A_321 = tpu.vector_load %arg24[%parallel_loop3A_319, %parallel_loop3A_320] {strides = array<i32>} : memref<16x512xf32, #tpu.memory_space<vmem>>, vector<16xf32>,
        tpu.vector_store %arg24[%parallel_loop3A_319, %parallel_loop3A_320], %parallel_loop3A_318 {strides = array<i32>} : memref<16x512xf32, #tpu.memory_space<vmem>>, vector<16xf32>,
        %parallel_loop3A_322 = arith.constant 128 : i32
        %parallel_loop3A_323 = vector.broadcast %parallel_loop3A_322 : i32 to vector<16xi32>
        %parallel_loop3A_324 = arith.addi %parallel_loop3A_265, %parallel_loop3A_323 : vector<16xi32>
        %parallel_loop3A_325 = tpu.vector_load_idx %arg21[%parallel_loop3A_324] : memref<107008xf32, #tpu.memory_space<vmem>>[vector<16xi32>], vector<16xf32>,
        %parallel_loop3A_326 = arith.index_cast %parallel_loop3A_250 : i32 to index
        %parallel_loop3A_327 = arith.constant 128 : index
        %parallel_loop3A_328 = tpu.vector_load %arg24[%parallel_loop3A_326, %parallel_loop3A_327] {strides = array<i32>} : memref<16x512xf32, #tpu.memory_space<vmem>>, vector<16xf32>,
        tpu.vector_store %arg24[%parallel_loop3A_326, %parallel_loop3A_327], %parallel_loop3A_325 {strides = array<i32>} : memref<16x512xf32, #tpu.memory_space<vmem>>, vector<16xf32>,
        %parallel_loop3A_329 = arith.constant 144 : i32
        %parallel_loop3A_330 = vector.broadcast %parallel_loop3A_329 : i32 to vector<16xi32>
        %parallel_loop3A_331 = arith.addi %parallel_loop3A_265, %parallel_loop3A_330 : vector<16xi32>
        %parallel_loop3A_332 = tpu.vector_load_idx %arg21[%parallel_loop3A_331] : memref<107008xf32, #tpu.memory_space<vmem>>[vector<16xi32>], vector<16xf32>,
        %parallel_loop3A_333 = arith.index_cast %parallel_loop3A_250 : i32 to index
        %parallel_loop3A_334 = arith.constant 144 : index
        %parallel_loop3A_335 = tpu.vector_load %arg24[%parallel_loop3A_333, %parallel_loop3A_334] {strides = array<i32>} : memref<16x512xf32, #tpu.memory_space<vmem>>, vector<16xf32>,
        tpu.vector_store %arg24[%parallel_loop3A_333, %parallel_loop3A_334], %parallel_loop3A_332 {strides = array<i32>} : memref<16x512xf32, #tpu.memory_space<vmem>>, vector<16xf32>,
        %parallel_loop3A_336 = arith.constant 160 : i32
        %parallel_loop3A_337 = vector.broadcast %parallel_loop3A_336 : i32 to vector<16xi32>
        %parallel_loop3A_338 = arith.addi %parallel_loop3A_265, %parallel_loop3A_337 : vector<16xi32>
        %parallel_loop3A_339 = tpu.vector_load_idx %arg21[%parallel_loop3A_338] : memref<107008xf32, #tpu.memory_space<vmem>>[vector<16xi32>], vector<16xf32>,
        %parallel_loop3A_340 = arith.index_cast %parallel_loop3A_250 : i32 to index
        %parallel_loop3A_341 = arith.constant 160 : index
        %parallel_loop3A_342 = tpu.vector_load %arg24[%parallel_loop3A_340, %parallel_loop3A_341] {strides = array<i32>} : memref<16x512xf32, #tpu.memory_space<vmem>>, vector<16xf32>,
        tpu.vector_store %arg24[%parallel_loop3A_340, %parallel_loop3A_341], %parallel_loop3A_339 {strides = array<i32>} : memref<16x512xf32, #tpu.memory_space<vmem>>, vector<16xf32>,
        %parallel_loop3A_343 = arith.constant 176 : i32
        %parallel_loop3A_344 = vector.broadcast %parallel_loop3A_343 : i32 to vector<16xi32>
        %parallel_loop3A_345 = arith.addi %parallel_loop3A_265, %parallel_loop3A_344 : vector<16xi32>
        %parallel_loop3A_346 = tpu.vector_load_idx %arg21[%parallel_loop3A_345] : memref<107008xf32, #tpu.memory_space<vmem>>[vector<16xi32>], vector<16xf32>,
        %parallel_loop3A_347 = arith.index_cast %parallel_loop3A_250 : i32 to index
        %parallel_loop3A_348 = arith.constant 176 : index
        %parallel_loop3A_349 = tpu.vector_load %arg24[%parallel_loop3A_347, %parallel_loop3A_348] {strides = array<i32>} : memref<16x512xf32, #tpu.memory_space<vmem>>, vector<16xf32>,
        tpu.vector_store %arg24[%parallel_loop3A_347, %parallel_loop3A_348], %parallel_loop3A_346 {strides = array<i32>} : memref<16x512xf32, #tpu.memory_space<vmem>>, vector<16xf32>,
        %parallel_loop3A_350 = arith.constant 192 : i32
        %parallel_loop3A_351 = vector.broadcast %parallel_loop3A_350 : i32 to vector<16xi32>
        %parallel_loop3A_352 = arith.addi %parallel_loop3A_265, %parallel_loop3A_351 : vector<16xi32>
        %parallel_loop3A_353 = tpu.vector_load_idx %arg21[%parallel_loop3A_352] : memref<107008xf32, #tpu.memory_space<vmem>>[vector<16xi32>], vector<16xf32>,
        %parallel_loop3A_354 = arith.index_cast %parallel_loop3A_250 : i32 to index
        %parallel_loop3A_355 = arith.constant 192 : index
        %parallel_loop3A_356 = tpu.vector_load %arg24[%parallel_loop3A_354, %parallel_loop3A_355] {strides = array<i32>} : memref<16x512xf32, #tpu.memory_space<vmem>>, vector<16xf32>,
        tpu.vector_store %arg24[%parallel_loop3A_354, %parallel_loop3A_355], %parallel_loop3A_353 {strides = array<i32>} : memref<16x512xf32, #tpu.memory_space<vmem>>, vector<16xf32>,
        %parallel_loop3A_357 = arith.constant 208 : i32
        %parallel_loop3A_358 = vector.broadcast %parallel_loop3A_357 : i32 to vector<16xi32>
        %parallel_loop3A_359 = arith.addi %parallel_loop3A_265, %parallel_loop3A_358 : vector<16xi32>
        %parallel_loop3A_360 = tpu.vector_load_idx %arg21[%parallel_loop3A_359] : memref<107008xf32, #tpu.memory_space<vmem>>[vector<16xi32>], vector<16xf32>,
        %parallel_loop3A_361 = arith.index_cast %parallel_loop3A_250 : i32 to index
        %parallel_loop3A_362 = arith.constant 208 : index
        %parallel_loop3A_363 = tpu.vector_load %arg24[%parallel_loop3A_361, %parallel_loop3A_362] {strides = array<i32>} : memref<16x512xf32, #tpu.memory_space<vmem>>, vector<16xf32>,
        tpu.vector_store %arg24[%parallel_loop3A_361, %parallel_loop3A_362], %parallel_loop3A_360 {strides = array<i32>} : memref<16x512xf32, #tpu.memory_space<vmem>>, vector<16xf32>,
        %parallel_loop3A_364 = arith.constant 224 : i32
        %parallel_loop3A_365 = vector.broadcast %parallel_loop3A_364 : i32 to vector<16xi32>
        %parallel_loop3A_366 = arith.addi %parallel_loop3A_265, %parallel_loop3A_365 : vector<16xi32>
        %parallel_loop3A_367 = tpu.vector_load_idx %arg21[%parallel_loop3A_366] : memref<107008xf32, #tpu.memory_space<vmem>>[vector<16xi32>], vector<16xf32>,
        %parallel_loop3A_368 = arith.index_cast %parallel_loop3A_250 : i32 to index
        %parallel_loop3A_369 = arith.constant 224 : index
        %parallel_loop3A_370 = tpu.vector_load %arg24[%parallel_loop3A_368, %parallel_loop3A_369] {strides = array<i32>} : memref<16x512xf32, #tpu.memory_space<vmem>>, vector<16xf32>,
        tpu.vector_store %arg24[%parallel_loop3A_368, %parallel_loop3A_369], %parallel_loop3A_367 {strides = array<i32>} : memref<16x512xf32, #tpu.memory_space<vmem>>, vector<16xf32>,
        %parallel_loop3A_371 = arith.constant 240 : i32
        %parallel_loop3A_372 = vector.broadcast %parallel_loop3A_371 : i32 to vector<16xi32>
        %parallel_loop3A_373 = arith.addi %parallel_loop3A_265, %parallel_loop3A_372 : vector<16xi32>
        %parallel_loop3A_374 = tpu.vector_load_idx %arg21[%parallel_loop3A_373] : memref<107008xf32, #tpu.memory_space<vmem>>[vector<16xi32>], vector<16xf32>,
        %parallel_loop3A_375 = arith.index_cast %parallel_loop3A_250 : i32 to index
        %parallel_loop3A_376 = arith.constant 240 : index
        %parallel_loop3A_377 = tpu.vector_load %arg24[%parallel_loop3A_375, %parallel_loop3A_376] {strides = array<i32>} : memref<16x512xf32, #tpu.memory_space<vmem>>, vector<16xf32>,
        tpu.vector_store %arg24[%parallel_loop3A_375, %parallel_loop3A_376], %parallel_loop3A_374 {strides = array<i32>} : memref<16x512xf32, #tpu.memory_space<vmem>>, vector<16xf32>,
        %parallel_loop3A_378 = arith.constant 256 : i32
        %parallel_loop3A_379 = vector.broadcast %parallel_loop3A_378 : i32 to vector<16xi32>
        %parallel_loop3A_380 = arith.addi %parallel_loop3A_265, %parallel_loop3A_379 : vector<16xi32>
        %parallel_loop3A_381 = tpu.vector_load_idx %arg21[%parallel_loop3A_380] : memref<107008xf32, #tpu.memory_space<vmem>>[vector<16xi32>], vector<16xf32>,
        %parallel_loop3A_382 = arith.index_cast %parallel_loop3A_250 : i32 to index
        %parallel_loop3A_383 = arith.constant 256 : index
        %parallel_loop3A_384 = tpu.vector_load %arg24[%parallel_loop3A_382, %parallel_loop3A_383] {strides = array<i32>} : memref<16x512xf32, #tpu.memory_space<vmem>>, vector<16xf32>,
        tpu.vector_store %arg24[%parallel_loop3A_382, %parallel_loop3A_383], %parallel_loop3A_381 {strides = array<i32>} : memref<16x512xf32, #tpu.memory_space<vmem>>, vector<16xf32>,
        %parallel_loop3A_385 = arith.constant 272 : i32
        %parallel_loop3A_386 = vector.broadcast %parallel_loop3A_385 : i32 to vector<16xi32>
        %parallel_loop3A_387 = arith.addi %parallel_loop3A_265, %parallel_loop3A_386 : vector<16xi32>
        %parallel_loop3A_388 = tpu.vector_load_idx %arg21[%parallel_loop3A_387] : memref<107008xf32, #tpu.memory_space<vmem>>[vector<16xi32>], vector<16xf32>,
        %parallel_loop3A_389 = arith.index_cast %parallel_loop3A_250 : i32 to index
        %parallel_loop3A_390 = arith.constant 272 : index
        %parallel_loop3A_391 = tpu.vector_load %arg24[%parallel_loop3A_389, %parallel_loop3A_390] {strides = array<i32>} : memref<16x512xf32, #tpu.memory_space<vmem>>, vector<16xf32>,
        tpu.vector_store %arg24[%parallel_loop3A_389, %parallel_loop3A_390], %parallel_loop3A_388 {strides = array<i32>} : memref<16x512xf32, #tpu.memory_space<vmem>>, vector<16xf32>,
        %parallel_loop3A_392 = arith.constant 288 : i32
        %parallel_loop3A_393 = vector.broadcast %parallel_loop3A_392 : i32 to vector<16xi32>
        %parallel_loop3A_394 = arith.addi %parallel_loop3A_265, %parallel_loop3A_393 : vector<16xi32>
        %parallel_loop3A_395 = tpu.vector_load_idx %arg21[%parallel_loop3A_394] : memref<107008xf32, #tpu.memory_space<vmem>>[vector<16xi32>], vector<16xf32>,
        %parallel_loop3A_396 = arith.index_cast %parallel_loop3A_250 : i32 to index
        %parallel_loop3A_397 = arith.constant 288 : index
        %parallel_loop3A_398 = tpu.vector_load %arg24[%parallel_loop3A_396, %parallel_loop3A_397] {strides = array<i32>} : memref<16x512xf32, #tpu.memory_space<vmem>>, vector<16xf32>,
        tpu.vector_store %arg24[%parallel_loop3A_396, %parallel_loop3A_397], %parallel_loop3A_395 {strides = array<i32>} : memref<16x512xf32, #tpu.memory_space<vmem>>, vector<16xf32>,
        %parallel_loop3A_399 = arith.constant 304 : i32
        %parallel_loop3A_400 = vector.broadcast %parallel_loop3A_399 : i32 to vector<16xi32>
        %parallel_loop3A_401 = arith.addi %parallel_loop3A_265, %parallel_loop3A_400 : vector<16xi32>
        %parallel_loop3A_402 = tpu.vector_load_idx %arg21[%parallel_loop3A_401] : memref<107008xf32, #tpu.memory_space<vmem>>[vector<16xi32>], vector<16xf32>,
        %parallel_loop3A_403 = arith.index_cast %parallel_loop3A_250 : i32 to index
        %parallel_loop3A_404 = arith.constant 304 : index
        %parallel_loop3A_405 = tpu.vector_load %arg24[%parallel_loop3A_403, %parallel_loop3A_404] {strides = array<i32>} : memref<16x512xf32, #tpu.memory_space<vmem>>, vector<16xf32>,
        tpu.vector_store %arg24[%parallel_loop3A_403, %parallel_loop3A_404], %parallel_loop3A_402 {strides = array<i32>} : memref<16x512xf32, #tpu.memory_space<vmem>>, vector<16xf32>,
        %parallel_loop3A_406 = arith.constant 320 : i32
        %parallel_loop3A_407 = vector.broadcast %parallel_loop3A_406 : i32 to vector<16xi32>
        %parallel_loop3A_408 = arith.addi %parallel_loop3A_265, %parallel_loop3A_407 : vector<16xi32>
        %parallel_loop3A_409 = tpu.vector_load_idx %arg21[%parallel_loop3A_408] : memref<107008xf32, #tpu.memory_space<vmem>>[vector<16xi32>], vector<16xf32>,
        %parallel_loop3A_410 = arith.index_cast %parallel_loop3A_250 : i32 to index
        %parallel_loop3A_411 = arith.constant 320 : index
        %parallel_loop3A_412 = tpu.vector_load %arg24[%parallel_loop3A_410, %parallel_loop3A_411] {strides = array<i32>} : memref<16x512xf32, #tpu.memory_space<vmem>>, vector<16xf32>,
        tpu.vector_store %arg24[%parallel_loop3A_410, %parallel_loop3A_411], %parallel_loop3A_409 {strides = array<i32>} : memref<16x512xf32, #tpu.memory_space<vmem>>, vector<16xf32>,
        %parallel_loop3A_413 = arith.constant 336 : i32
        %parallel_loop3A_414 = vector.broadcast %parallel_loop3A_413 : i32 to vector<16xi32>
        %parallel_loop3A_415 = arith.addi %parallel_loop3A_265, %parallel_loop3A_414 : vector<16xi32>
        %parallel_loop3A_416 = tpu.vector_load_idx %arg21[%parallel_loop3A_415] : memref<107008xf32, #tpu.memory_space<vmem>>[vector<16xi32>], vector<16xf32>,
        %parallel_loop3A_417 = arith.index_cast %parallel_loop3A_250 : i32 to index
        %parallel_loop3A_418 = arith.constant 336 : index
        %parallel_loop3A_419 = tpu.vector_load %arg24[%parallel_loop3A_417, %parallel_loop3A_418] {strides = array<i32>} : memref<16x512xf32, #tpu.memory_space<vmem>>, vector<16xf32>,
        tpu.vector_store %arg24[%parallel_loop3A_417, %parallel_loop3A_418], %parallel_loop3A_416 {strides = array<i32>} : memref<16x512xf32, #tpu.memory_space<vmem>>, vector<16xf32>,
        %parallel_loop3A_420 = arith.constant 352 : i32
        %parallel_loop3A_421 = vector.broadcast %parallel_loop3A_420 : i32 to vector<16xi32>
        %parallel_loop3A_422 = arith.addi %parallel_loop3A_265, %parallel_loop3A_421 : vector<16xi32>
        %parallel_loop3A_423 = tpu.vector_load_idx %arg21[%parallel_loop3A_422] : memref<107008xf32, #tpu.memory_space<vmem>>[vector<16xi32>], vector<16xf32>,
        %parallel_loop3A_424 = arith.index_cast %parallel_loop3A_250 : i32 to index
        %parallel_loop3A_425 = arith.constant 352 : index
        %parallel_loop3A_426 = tpu.vector_load %arg24[%parallel_loop3A_424, %parallel_loop3A_425] {strides = array<i32>} : memref<16x512xf32, #tpu.memory_space<vmem>>, vector<16xf32>,
        tpu.vector_store %arg24[%parallel_loop3A_424, %parallel_loop3A_425], %parallel_loop3A_423 {strides = array<i32>} : memref<16x512xf32, #tpu.memory_space<vmem>>, vector<16xf32>,
        %parallel_loop3A_427 = arith.constant 368 : i32
        %parallel_loop3A_428 = vector.broadcast %parallel_loop3A_427 : i32 to vector<16xi32>
        %parallel_loop3A_429 = arith.addi %parallel_loop3A_265, %parallel_loop3A_428 : vector<16xi32>
        %parallel_loop3A_430 = tpu.vector_load_idx %arg21[%parallel_loop3A_429] : memref<107008xf32, #tpu.memory_space<vmem>>[vector<16xi32>], vector<16xf32>,
        %parallel_loop3A_431 = arith.index_cast %parallel_loop3A_250 : i32 to index
        %parallel_loop3A_432 = arith.constant 368 : index
        %parallel_loop3A_433 = tpu.vector_load %arg24[%parallel_loop3A_431, %parallel_loop3A_432] {strides = array<i32>} : memref<16x512xf32, #tpu.memory_space<vmem>>, vector<16xf32>,
        tpu.vector_store %arg24[%parallel_loop3A_431, %parallel_loop3A_432], %parallel_loop3A_430 {strides = array<i32>} : memref<16x512xf32, #tpu.memory_space<vmem>>, vector<16xf32>,
        %parallel_loop3A_434 = arith.constant 384 : i32
        %parallel_loop3A_435 = vector.broadcast %parallel_loop3A_434 : i32 to vector<16xi32>
        %parallel_loop3A_436 = arith.addi %parallel_loop3A_265, %parallel_loop3A_435 : vector<16xi32>
        %parallel_loop3A_437 = tpu.vector_load_idx %arg21[%parallel_loop3A_436] : memref<107008xf32, #tpu.memory_space<vmem>>[vector<16xi32>], vector<16xf32>,
        %parallel_loop3A_438 = arith.index_cast %parallel_loop3A_250 : i32 to index
        %parallel_loop3A_439 = arith.constant 384 : index
        %parallel_loop3A_440 = tpu.vector_load %arg24[%parallel_loop3A_438, %parallel_loop3A_439] {strides = array<i32>} : memref<16x512xf32, #tpu.memory_space<vmem>>, vector<16xf32>,
        tpu.vector_store %arg24[%parallel_loop3A_438, %parallel_loop3A_439], %parallel_loop3A_437 {strides = array<i32>} : memref<16x512xf32, #tpu.memory_space<vmem>>, vector<16xf32>,
        %parallel_loop3A_441 = arith.constant 400 : i32
        %parallel_loop3A_442 = vector.broadcast %parallel_loop3A_441 : i32 to vector<16xi32>
        %parallel_loop3A_443 = arith.addi %parallel_loop3A_265, %parallel_loop3A_442 : vector<16xi32>
        %parallel_loop3A_444 = tpu.vector_load_idx %arg21[%parallel_loop3A_443] : memref<107008xf32, #tpu.memory_space<vmem>>[vector<16xi32>], vector<16xf32>,
        %parallel_loop3A_445 = arith.index_cast %parallel_loop3A_250 : i32 to index
        %parallel_loop3A_446 = arith.constant 400 : index
        %parallel_loop3A_447 = tpu.vector_load %arg24[%parallel_loop3A_445, %parallel_loop3A_446] {strides = array<i32>} : memref<16x512xf32, #tpu.memory_space<vmem>>, vector<16xf32>,
        tpu.vector_store %arg24[%parallel_loop3A_445, %parallel_loop3A_446], %parallel_loop3A_444 {strides = array<i32>} : memref<16x512xf32, #tpu.memory_space<vmem>>, vector<16xf32>,
        %parallel_loop3A_448 = arith.constant 416 : i32
        %parallel_loop3A_449 = vector.broadcast %parallel_loop3A_448 : i32 to vector<16xi32>
        %parallel_loop3A_450 = arith.addi %parallel_loop3A_265, %parallel_loop3A_449 : vector<16xi32>
        %parallel_loop3A_451 = tpu.vector_load_idx %arg21[%parallel_loop3A_450] : memref<107008xf32, #tpu.memory_space<vmem>>[vector<16xi32>], vector<16xf32>,
        %parallel_loop3A_452 = arith.index_cast %parallel_loop3A_250 : i32 to index
        %parallel_loop3A_453 = arith.constant 416 : index
        %parallel_loop3A_454 = tpu.vector_load %arg24[%parallel_loop3A_452, %parallel_loop3A_453] {strides = array<i32>} : memref<16x512xf32, #tpu.memory_space<vmem>>, vector<16xf32>,
        tpu.vector_store %arg24[%parallel_loop3A_452, %parallel_loop3A_453], %parallel_loop3A_451 {strides = array<i32>} : memref<16x512xf32, #tpu.memory_space<vmem>>, vector<16xf32>,
        %parallel_loop3A_455 = arith.constant 432 : i32
        %parallel_loop3A_456 = vector.broadcast %parallel_loop3A_455 : i32 to vector<16xi32>
        %parallel_loop3A_457 = arith.addi %parallel_loop3A_265, %parallel_loop3A_456 : vector<16xi32>
        %parallel_loop3A_458 = tpu.vector_load_idx %arg21[%parallel_loop3A_457] : memref<107008xf32, #tpu.memory_space<vmem>>[vector<16xi32>], vector<16xf32>,
        %parallel_loop3A_459 = arith.index_cast %parallel_loop3A_250 : i32 to index
        %parallel_loop3A_460 = arith.constant 432 : index
        %parallel_loop3A_461 = tpu.vector_load %arg24[%parallel_loop3A_459, %parallel_loop3A_460] {strides = array<i32>} : memref<16x512xf32, #tpu.memory_space<vmem>>, vector<16xf32>,
        tpu.vector_store %arg24[%parallel_loop3A_459, %parallel_loop3A_460], %parallel_loop3A_458 {strides = array<i32>} : memref<16x512xf32, #tpu.memory_space<vmem>>, vector<16xf32>,
        %parallel_loop3A_462 = arith.constant 448 : i32
        %parallel_loop3A_463 = vector.broadcast %parallel_loop3A_462 : i32 to vector<16xi32>
        %parallel_loop3A_464 = arith.addi %parallel_loop3A_265, %parallel_loop3A_463 : vector<16xi32>
        %parallel_loop3A_465 = tpu.vector_load_idx %arg21[%parallel_loop3A_464] : memref<107008xf32, #tpu.memory_space<vmem>>[vector<16xi32>], vector<16xf32>,
        %parallel_loop3A_466 = arith.index_cast %parallel_loop3A_250 : i32 to index
        %parallel_loop3A_467 = arith.constant 448 : index
        %parallel_loop3A_468 = tpu.vector_load %arg24[%parallel_loop3A_466, %parallel_loop3A_467] {strides = array<i32>} : memref<16x512xf32, #tpu.memory_space<vmem>>, vector<16xf32>,
        tpu.vector_store %arg24[%parallel_loop3A_466, %parallel_loop3A_467], %parallel_loop3A_465 {strides = array<i32>} : memref<16x512xf32, #tpu.memory_space<vmem>>, vector<16xf32>,
        %parallel_loop3A_469 = arith.constant 464 : i32
        %parallel_loop3A_470 = vector.broadcast %parallel_loop3A_469 : i32 to vector<16xi32>
        %parallel_loop3A_471 = arith.addi %parallel_loop3A_265, %parallel_loop3A_470 : vector<16xi32>
        %parallel_loop3A_472 = tpu.vector_load_idx %arg21[%parallel_loop3A_471] : memref<107008xf32, #tpu.memory_space<vmem>>[vector<16xi32>], vector<16xf32>,
        %parallel_loop3A_473 = arith.index_cast %parallel_loop3A_250 : i32 to index
        %parallel_loop3A_474 = arith.constant 464 : index
        %parallel_loop3A_475 = tpu.vector_load %arg24[%parallel_loop3A_473, %parallel_loop3A_474] {strides = array<i32>} : memref<16x512xf32, #tpu.memory_space<vmem>>, vector<16xf32>,
        tpu.vector_store %arg24[%parallel_loop3A_473, %parallel_loop3A_474], %parallel_loop3A_472 {strides = array<i32>} : memref<16x512xf32, #tpu.memory_space<vmem>>, vector<16xf32>,
        %parallel_loop3A_476 = arith.constant 480 : i32
        %parallel_loop3A_477 = vector.broadcast %parallel_loop3A_476 : i32 to vector<16xi32>
        %parallel_loop3A_478 = arith.addi %parallel_loop3A_265, %parallel_loop3A_477 : vector<16xi32>
        %parallel_loop3A_479 = tpu.vector_load_idx %arg21[%parallel_loop3A_478] : memref<107008xf32, #tpu.memory_space<vmem>>[vector<16xi32>], vector<16xf32>,
        %parallel_loop3A_480 = arith.index_cast %parallel_loop3A_250 : i32 to index
        %parallel_loop3A_481 = arith.constant 480 : index
        %parallel_loop3A_482 = tpu.vector_load %arg24[%parallel_loop3A_480, %parallel_loop3A_481] {strides = array<i32>} : memref<16x512xf32, #tpu.memory_space<vmem>>, vector<16xf32>,
        tpu.vector_store %arg24[%parallel_loop3A_480, %parallel_loop3A_481], %parallel_loop3A_479 {strides = array<i32>} : memref<16x512xf32, #tpu.memory_space<vmem>>, vector<16xf32>,
        %parallel_loop3A_483 = arith.constant 496 : i32
        %parallel_loop3A_484 = vector.broadcast %parallel_loop3A_483 : i32 to vector<16xi32>
        %parallel_loop3A_485 = arith.addi %parallel_loop3A_265, %parallel_loop3A_484 : vector<16xi32>
        %parallel_loop3A_486 = tpu.vector_load_idx %arg21[%parallel_loop3A_485] : memref<107008xf32, #tpu.memory_space<vmem>>[vector<16xi32>], vector<16xf32>,
        %parallel_loop3A_487 = arith.index_cast %parallel_loop3A_250 : i32 to index
        %parallel_loop3A_488 = arith.constant 496 : index
        %parallel_loop3A_489 = tpu.vector_load %arg24[%parallel_loop3A_487, %parallel_loop3A_488] {strides = array<i32>} : memref<16x512xf32, #tpu.memory_space<vmem>>, vector<16xf32>,
        tpu.vector_store %arg24[%parallel_loop3A_487, %parallel_loop3A_488], %parallel_loop3A_486 {strides = array<i32>} : memref<16x512xf32, #tpu.memory_space<vmem>>, vector<16xf32>,
      } {sc.loop_unroll_factor = 2 : i64, sc.parallel_access}
      %eq3A_88 = arith.constant 0 : i32
      %eq3A_89 = arith.cmpi eq, %select_n3A, %eq3A_88 : i32
      %convert_element_type3A = arith.extui %eq3A_89 : i1 to i32
      %cond3A = arith.constant 0 : i32
      %cond3A_90 = arith.cmpi ne, %convert_element_type3A, %cond3A : i32
      scf.if %cond3A_90 {
        %add3A_250 = arith.constant 16 : i32
        %add3A_251 = arith.addi %add3A_66, %add3A_250 : i32
        %dma_start3A_252 = arith.constant 0 : i32
        %dma_start3A_253 = tpu.memref_slice %arg5[%add3A_251, %dma_start3A_252] : memref<8192x512xf32, #tpu.memory_space<hbm>> -> memref<16x512xf32, #tpu.memory_space<hbm>>
        %dma_start3A_254 = arith.constant 0 : i32
        %dma_start3A_255 = tpu.memref_slice %arg5[%add3A_251, %dma_start3A_254] : memref<8192x512xf32, #tpu.memory_space<hbm>> -> memref<16x512xf32, #tpu.memory_space<hbm>>
        tpu.enqueue_dma source(%arg24 : memref<16x512xf32, #tpu.memory_space<vmem>>) target(%dma_start3A_255 : memref<16x512xf32, #tpu.memory_space<hbm>>) target_semaphore(%arg27 : memref<!tpu.dma_semaphore, #tpu.memory_space<semaphore_mem>>)
      } else {
      }
      %eq3A_91 = arith.constant 1 : i32
      %eq3A_92 = arith.cmpi eq, %select_n3A, %eq3A_91 : i32
      %convert_element_type3A_93 = arith.extui %eq3A_92 : i1 to i32
      %cond3A_94 = arith.constant 0 : i32
      %cond3A_95 = arith.cmpi ne, %convert_element_type3A_93, %cond3A_94 : i32
      scf.if %cond3A_95 {
        %add3A_250 = arith.constant 16 : i32
        %add3A_251 = arith.addi %add3A_66, %add3A_250 : i32
        %dma_start3A_252 = arith.constant 0 : i32
        %dma_start3A_253 = tpu.memref_slice %arg6[%add3A_251, %dma_start3A_252] : memref<8192x512xf32, #tpu.memory_space<hbm>> -> memref<16x512xf32, #tpu.memory_space<hbm>>
        %dma_start3A_254 = arith.constant 0 : i32
        %dma_start3A_255 = tpu.memref_slice %arg6[%add3A_251, %dma_start3A_254] : memref<8192x512xf32, #tpu.memory_space<hbm>> -> memref<16x512xf32, #tpu.memory_space<hbm>>
        tpu.enqueue_dma source(%arg24 : memref<16x512xf32, #tpu.memory_space<vmem>>) target(%dma_start3A_255 : memref<16x512xf32, #tpu.memory_space<hbm>>) target_semaphore(%arg27 : memref<!tpu.dma_semaphore, #tpu.memory_space<semaphore_mem>>)
      } else {
      }
      %eq3A_96 = arith.constant 2 : i32
      %eq3A_97 = arith.cmpi eq, %select_n3A, %eq3A_96 : i32
      %convert_element_type3A_98 = arith.extui %eq3A_97 : i1 to i32
      %cond3A_99 = arith.constant 0 : i32
      %cond3A_100 = arith.cmpi ne, %convert_element_type3A_98, %cond3A_99 : i32
      scf.if %cond3A_100 {
        %add3A_250 = arith.constant 16 : i32
        %add3A_251 = arith.addi %add3A_66, %add3A_250 : i32
        %dma_start3A_252 = arith.constant 0 : i32
        %dma_start3A_253 = tpu.memref_slice %arg7[%add3A_251, %dma_start3A_252] : memref<8192x512xf32, #tpu.memory_space<hbm>> -> memref<16x512xf32, #tpu.memory_space<hbm>>
        %dma_start3A_254 = arith.constant 0 : i32
        %dma_start3A_255 = tpu.memref_slice %arg7[%add3A_251, %dma_start3A_254] : memref<8192x512xf32, #tpu.memory_space<hbm>> -> memref<16x512xf32, #tpu.memory_space<hbm>>
        tpu.enqueue_dma source(%arg24 : memref<16x512xf32, #tpu.memory_space<vmem>>) target(%dma_start3A_255 : memref<16x512xf32, #tpu.memory_space<hbm>>) target_semaphore(%arg27 : memref<!tpu.dma_semaphore, #tpu.memory_space<semaphore_mem>>)
      } else {
      }
      %eq3A_101 = arith.constant 3 : i32
      %eq3A_102 = arith.cmpi eq, %select_n3A, %eq3A_101 : i32
      %convert_element_type3A_103 = arith.extui %eq3A_102 : i1 to i32
      %cond3A_104 = arith.constant 0 : i32
      %cond3A_105 = arith.cmpi ne, %convert_element_type3A_103, %cond3A_104 : i32
      scf.if %cond3A_105 {
        %add3A_250 = arith.constant 16 : i32
        %add3A_251 = arith.addi %add3A_66, %add3A_250 : i32
        %dma_start3A_252 = arith.constant 0 : i32
        %dma_start3A_253 = tpu.memref_slice %arg8[%add3A_251, %dma_start3A_252] : memref<8192x512xf32, #tpu.memory_space<hbm>> -> memref<16x512xf32, #tpu.memory_space<hbm>>
        %dma_start3A_254 = arith.constant 0 : i32
        %dma_start3A_255 = tpu.memref_slice %arg8[%add3A_251, %dma_start3A_254] : memref<8192x512xf32, #tpu.memory_space<hbm>> -> memref<16x512xf32, #tpu.memory_space<hbm>>
        tpu.enqueue_dma source(%arg24 : memref<16x512xf32, #tpu.memory_space<vmem>>) target(%dma_start3A_255 : memref<16x512xf32, #tpu.memory_space<hbm>>) target_semaphore(%arg27 : memref<!tpu.dma_semaphore, #tpu.memory_space<semaphore_mem>>)
      } else {
      }
      %eq3A_106 = arith.constant 4 : i32
      %eq3A_107 = arith.cmpi eq, %select_n3A, %eq3A_106 : i32
      %convert_element_type3A_108 = arith.extui %eq3A_107 : i1 to i32
      %cond3A_109 = arith.constant 0 : i32
      %cond3A_110 = arith.cmpi ne, %convert_element_type3A_108, %cond3A_109 : i32
      scf.if %cond3A_110 {
        %add3A_250 = arith.constant 16 : i32
        %add3A_251 = arith.addi %add3A_66, %add3A_250 : i32
        %dma_start3A_252 = arith.constant 0 : i32
        %dma_start3A_253 = tpu.memref_slice %arg9[%add3A_251, %dma_start3A_252] : memref<8192x512xf32, #tpu.memory_space<hbm>> -> memref<16x512xf32, #tpu.memory_space<hbm>>
        %dma_start3A_254 = arith.constant 0 : i32
        %dma_start3A_255 = tpu.memref_slice %arg9[%add3A_251, %dma_start3A_254] : memref<8192x512xf32, #tpu.memory_space<hbm>> -> memref<16x512xf32, #tpu.memory_space<hbm>>
        tpu.enqueue_dma source(%arg24 : memref<16x512xf32, #tpu.memory_space<vmem>>) target(%dma_start3A_255 : memref<16x512xf32, #tpu.memory_space<hbm>>) target_semaphore(%arg27 : memref<!tpu.dma_semaphore, #tpu.memory_space<semaphore_mem>>)
      } else {
      }
      %eq3A_111 = arith.constant 5 : i32
      %eq3A_112 = arith.cmpi eq, %select_n3A, %eq3A_111 : i32
      %convert_element_type3A_113 = arith.extui %eq3A_112 : i1 to i32
      %cond3A_114 = arith.constant 0 : i32
      %cond3A_115 = arith.cmpi ne, %convert_element_type3A_113, %cond3A_114 : i32
      scf.if %cond3A_115 {
        %add3A_250 = arith.constant 16 : i32
        %add3A_251 = arith.addi %add3A_66, %add3A_250 : i32
        %dma_start3A_252 = arith.constant 0 : i32
        %dma_start3A_253 = tpu.memref_slice %arg10[%add3A_251, %dma_start3A_252] : memref<8192x512xf32, #tpu.memory_space<hbm>> -> memref<16x512xf32, #tpu.memory_space<hbm>>
        %dma_start3A_254 = arith.constant 0 : i32
        %dma_start3A_255 = tpu.memref_slice %arg10[%add3A_251, %dma_start3A_254] : memref<8192x512xf32, #tpu.memory_space<hbm>> -> memref<16x512xf32, #tpu.memory_space<hbm>>
        tpu.enqueue_dma source(%arg24 : memref<16x512xf32, #tpu.memory_space<vmem>>) target(%dma_start3A_255 : memref<16x512xf32, #tpu.memory_space<hbm>>) target_semaphore(%arg27 : memref<!tpu.dma_semaphore, #tpu.memory_space<semaphore_mem>>)
      } else {
      }
      %eq3A_116 = arith.constant 6 : i32
      %eq3A_117 = arith.cmpi eq, %select_n3A, %eq3A_116 : i32
      %convert_element_type3A_118 = arith.extui %eq3A_117 : i1 to i32
      %cond3A_119 = arith.constant 0 : i32
      %cond3A_120 = arith.cmpi ne, %convert_element_type3A_118, %cond3A_119 : i32
      scf.if %cond3A_120 {
        %add3A_250 = arith.constant 16 : i32
        %add3A_251 = arith.addi %add3A_66, %add3A_250 : i32
        %dma_start3A_252 = arith.constant 0 : i32
        %dma_start3A_253 = tpu.memref_slice %arg11[%add3A_251, %dma_start3A_252] : memref<8192x512xf32, #tpu.memory_space<hbm>> -> memref<16x512xf32, #tpu.memory_space<hbm>>
        %dma_start3A_254 = arith.constant 0 : i32
        %dma_start3A_255 = tpu.memref_slice %arg11[%add3A_251, %dma_start3A_254] : memref<8192x512xf32, #tpu.memory_space<hbm>> -> memref<16x512xf32, #tpu.memory_space<hbm>>
        tpu.enqueue_dma source(%arg24 : memref<16x512xf32, #tpu.memory_space<vmem>>) target(%dma_start3A_255 : memref<16x512xf32, #tpu.memory_space<hbm>>) target_semaphore(%arg27 : memref<!tpu.dma_semaphore, #tpu.memory_space<semaphore_mem>>)
      } else {
      }
      %eq3A_121 = arith.constant 7 : i32
      %eq3A_122 = arith.cmpi eq, %select_n3A, %eq3A_121 : i32
      %convert_element_type3A_123 = arith.extui %eq3A_122 : i1 to i32
      %cond3A_124 = arith.constant 0 : i32
      %cond3A_125 = arith.cmpi ne, %convert_element_type3A_123, %cond3A_124 : i32
      scf.if %cond3A_125 {
        %add3A_250 = arith.constant 16 : i32
        %add3A_251 = arith.addi %add3A_66, %add3A_250 : i32
        %dma_start3A_252 = arith.constant 0 : i32
        %dma_start3A_253 = tpu.memref_slice %arg12[%add3A_251, %dma_start3A_252] : memref<8192x512xf32, #tpu.memory_space<hbm>> -> memref<16x512xf32, #tpu.memory_space<hbm>>
        %dma_start3A_254 = arith.constant 0 : i32
        %dma_start3A_255 = tpu.memref_slice %arg12[%add3A_251, %dma_start3A_254] : memref<8192x512xf32, #tpu.memory_space<hbm>> -> memref<16x512xf32, #tpu.memory_space<hbm>>
        tpu.enqueue_dma source(%arg24 : memref<16x512xf32, #tpu.memory_space<vmem>>) target(%dma_start3A_255 : memref<16x512xf32, #tpu.memory_space<hbm>>) target_semaphore(%arg27 : memref<!tpu.dma_semaphore, #tpu.memory_space<semaphore_mem>>)
      } else {
      }
      %eq3A_126 = arith.constant 8 : i32
      %eq3A_127 = arith.cmpi eq, %select_n3A, %eq3A_126 : i32
      %convert_element_type3A_128 = arith.extui %eq3A_127 : i1 to i32
      %cond3A_129 = arith.constant 0 : i32
      %cond3A_130 = arith.cmpi ne, %convert_element_type3A_128, %cond3A_129 : i32
      scf.if %cond3A_130 {
        %add3A_250 = arith.constant 16 : i32
        %add3A_251 = arith.addi %add3A_66, %add3A_250 : i32
        %dma_start3A_252 = arith.constant 0 : i32
        %dma_start3A_253 = tpu.memref_slice %arg13[%add3A_251, %dma_start3A_252] : memref<8192x512xf32, #tpu.memory_space<hbm>> -> memref<16x512xf32, #tpu.memory_space<hbm>>
        %dma_start3A_254 = arith.constant 0 : i32
        %dma_start3A_255 = tpu.memref_slice %arg13[%add3A_251, %dma_start3A_254] : memref<8192x512xf32, #tpu.memory_space<hbm>> -> memref<16x512xf32, #tpu.memory_space<hbm>>
        tpu.enqueue_dma source(%arg24 : memref<16x512xf32, #tpu.memory_space<vmem>>) target(%dma_start3A_255 : memref<16x512xf32, #tpu.memory_space<hbm>>) target_semaphore(%arg27 : memref<!tpu.dma_semaphore, #tpu.memory_space<semaphore_mem>>)
      } else {
      }
      %eq3A_131 = arith.constant 9 : i32
      %eq3A_132 = arith.cmpi eq, %select_n3A, %eq3A_131 : i32
      %convert_element_type3A_133 = arith.extui %eq3A_132 : i1 to i32
      %cond3A_134 = arith.constant 0 : i32
      %cond3A_135 = arith.cmpi ne, %convert_element_type3A_133, %cond3A_134 : i32
      scf.if %cond3A_135 {
        %add3A_250 = arith.constant 16 : i32
        %add3A_251 = arith.addi %add3A_66, %add3A_250 : i32
        %dma_start3A_252 = arith.constant 0 : i32
        %dma_start3A_253 = tpu.memref_slice %arg14[%add3A_251, %dma_start3A_252] : memref<8192x512xf32, #tpu.memory_space<hbm>> -> memref<16x512xf32, #tpu.memory_space<hbm>>
        %dma_start3A_254 = arith.constant 0 : i32
        %dma_start3A_255 = tpu.memref_slice %arg14[%add3A_251, %dma_start3A_254] : memref<8192x512xf32, #tpu.memory_space<hbm>> -> memref<16x512xf32, #tpu.memory_space<hbm>>
        tpu.enqueue_dma source(%arg24 : memref<16x512xf32, #tpu.memory_space<vmem>>) target(%dma_start3A_255 : memref<16x512xf32, #tpu.memory_space<hbm>>) target_semaphore(%arg27 : memref<!tpu.dma_semaphore, #tpu.memory_space<semaphore_mem>>)
      } else {
      }
      %eq3A_136 = arith.constant 10 : i32
      %eq3A_137 = arith.cmpi eq, %select_n3A, %eq3A_136 : i32
      %convert_element_type3A_138 = arith.extui %eq3A_137 : i1 to i32
      %cond3A_139 = arith.constant 0 : i32
      %cond3A_140 = arith.cmpi ne, %convert_element_type3A_138, %cond3A_139 : i32
      scf.if %cond3A_140 {
        %add3A_250 = arith.constant 16 : i32
        %add3A_251 = arith.addi %add3A_66, %add3A_250 : i32
        %dma_start3A_252 = arith.constant 0 : i32
        %dma_start3A_253 = tpu.memref_slice %arg15[%add3A_251, %dma_start3A_252] : memref<8192x512xf32, #tpu.memory_space<hbm>> -> memref<16x512xf32, #tpu.memory_space<hbm>>
        %dma_start3A_254 = arith.constant 0 : i32
        %dma_start3A_255 = tpu.memref_slice %arg15[%add3A_251, %dma_start3A_254] : memref<8192x512xf32, #tpu.memory_space<hbm>> -> memref<16x512xf32, #tpu.memory_space<hbm>>
        tpu.enqueue_dma source(%arg24 : memref<16x512xf32, #tpu.memory_space<vmem>>) target(%dma_start3A_255 : memref<16x512xf32, #tpu.memory_space<hbm>>) target_semaphore(%arg27 : memref<!tpu.dma_semaphore, #tpu.memory_space<semaphore_mem>>)
      } else {
      }
      %eq3A_141 = arith.constant 11 : i32
      %eq3A_142 = arith.cmpi eq, %select_n3A, %eq3A_141 : i32
      %convert_element_type3A_143 = arith.extui %eq3A_142 : i1 to i32
      %cond3A_144 = arith.constant 0 : i32
      %cond3A_145 = arith.cmpi ne, %convert_element_type3A_143, %cond3A_144 : i32
      scf.if %cond3A_145 {
        %add3A_250 = arith.constant 16 : i32
        %add3A_251 = arith.addi %add3A_66, %add3A_250 : i32
        %dma_start3A_252 = arith.constant 0 : i32
        %dma_start3A_253 = tpu.memref_slice %arg16[%add3A_251, %dma_start3A_252] : memref<8192x512xf32, #tpu.memory_space<hbm>> -> memref<16x512xf32, #tpu.memory_space<hbm>>
        %dma_start3A_254 = arith.constant 0 : i32
        %dma_start3A_255 = tpu.memref_slice %arg16[%add3A_251, %dma_start3A_254] : memref<8192x512xf32, #tpu.memory_space<hbm>> -> memref<16x512xf32, #tpu.memory_space<hbm>>
        tpu.enqueue_dma source(%arg24 : memref<16x512xf32, #tpu.memory_space<vmem>>) target(%dma_start3A_255 : memref<16x512xf32, #tpu.memory_space<hbm>>) target_semaphore(%arg27 : memref<!tpu.dma_semaphore, #tpu.memory_space<semaphore_mem>>)
      } else {
      }
      %eq3A_146 = arith.constant 12 : i32
      %eq3A_147 = arith.cmpi eq, %select_n3A, %eq3A_146 : i32
      %convert_element_type3A_148 = arith.extui %eq3A_147 : i1 to i32
      %cond3A_149 = arith.constant 0 : i32
      %cond3A_150 = arith.cmpi ne, %convert_element_type3A_148, %cond3A_149 : i32
      scf.if %cond3A_150 {
        %add3A_250 = arith.constant 16 : i32
        %add3A_251 = arith.addi %add3A_66, %add3A_250 : i32
        %dma_start3A_252 = arith.constant 0 : i32
        %dma_start3A_253 = tpu.memref_slice %arg17[%add3A_251, %dma_start3A_252] : memref<8192x512xf32, #tpu.memory_space<hbm>> -> memref<16x512xf32, #tpu.memory_space<hbm>>
        %dma_start3A_254 = arith.constant 0 : i32
        %dma_start3A_255 = tpu.memref_slice %arg17[%add3A_251, %dma_start3A_254] : memref<8192x512xf32, #tpu.memory_space<hbm>> -> memref<16x512xf32, #tpu.memory_space<hbm>>
        tpu.enqueue_dma source(%arg24 : memref<16x512xf32, #tpu.memory_space<vmem>>) target(%dma_start3A_255 : memref<16x512xf32, #tpu.memory_space<hbm>>) target_semaphore(%arg27 : memref<!tpu.dma_semaphore, #tpu.memory_space<semaphore_mem>>)
      } else {
      }
      %eq3A_151 = arith.constant 13 : i32
      %eq3A_152 = arith.cmpi eq, %select_n3A, %eq3A_151 : i32
      %convert_element_type3A_153 = arith.extui %eq3A_152 : i1 to i32
      %cond3A_154 = arith.constant 0 : i32
      %cond3A_155 = arith.cmpi ne, %convert_element_type3A_153, %cond3A_154 : i32
      scf.if %cond3A_155 {
        %add3A_250 = arith.constant 16 : i32
        %add3A_251 = arith.addi %add3A_66, %add3A_250 : i32
        %dma_start3A_252 = arith.constant 0 : i32
        %dma_start3A_253 = tpu.memref_slice %arg18[%add3A_251, %dma_start3A_252] : memref<8192x512xf32, #tpu.memory_space<hbm>> -> memref<16x512xf32, #tpu.memory_space<hbm>>
        %dma_start3A_254 = arith.constant 0 : i32
        %dma_start3A_255 = tpu.memref_slice %arg18[%add3A_251, %dma_start3A_254] : memref<8192x512xf32, #tpu.memory_space<hbm>> -> memref<16x512xf32, #tpu.memory_space<hbm>>
        tpu.enqueue_dma source(%arg24 : memref<16x512xf32, #tpu.memory_space<vmem>>) target(%dma_start3A_255 : memref<16x512xf32, #tpu.memory_space<hbm>>) target_semaphore(%arg27 : memref<!tpu.dma_semaphore, #tpu.memory_space<semaphore_mem>>)
      } else {
      }
      %eq3A_156 = arith.constant 14 : i32
      %eq3A_157 = arith.cmpi eq, %select_n3A, %eq3A_156 : i32
      %convert_element_type3A_158 = arith.extui %eq3A_157 : i1 to i32
      %cond3A_159 = arith.constant 0 : i32
      %cond3A_160 = arith.cmpi ne, %convert_element_type3A_158, %cond3A_159 : i32
      scf.if %cond3A_160 {
        %add3A_250 = arith.constant 16 : i32
        %add3A_251 = arith.addi %add3A_66, %add3A_250 : i32
        %dma_start3A_252 = arith.constant 0 : i32
        %dma_start3A_253 = tpu.memref_slice %arg19[%add3A_251, %dma_start3A_252] : memref<8192x512xf32, #tpu.memory_space<hbm>> -> memref<16x512xf32, #tpu.memory_space<hbm>>
        %dma_start3A_254 = arith.constant 0 : i32
        %dma_start3A_255 = tpu.memref_slice %arg19[%add3A_251, %dma_start3A_254] : memref<8192x512xf32, #tpu.memory_space<hbm>> -> memref<16x512xf32, #tpu.memory_space<hbm>>
        tpu.enqueue_dma source(%arg24 : memref<16x512xf32, #tpu.memory_space<vmem>>) target(%dma_start3A_255 : memref<16x512xf32, #tpu.memory_space<hbm>>) target_semaphore(%arg27 : memref<!tpu.dma_semaphore, #tpu.memory_space<semaphore_mem>>)
      } else {
      }
      %eq3A_161 = arith.constant 15 : i32
      %eq3A_162 = arith.cmpi eq, %select_n3A, %eq3A_161 : i32
      %convert_element_type3A_163 = arith.extui %eq3A_162 : i1 to i32
      %cond3A_164 = arith.constant 0 : i32
      %cond3A_165 = arith.cmpi ne, %convert_element_type3A_163, %cond3A_164 : i32
      scf.if %cond3A_165 {
        %add3A_250 = arith.constant 16 : i32
        %add3A_251 = arith.addi %add3A_66, %add3A_250 : i32
        %dma_start3A_252 = arith.constant 0 : i32
        %dma_start3A_253 = tpu.memref_slice %arg20[%add3A_251, %dma_start3A_252] : memref<8192x512xf32, #tpu.memory_space<hbm>> -> memref<16x512xf32, #tpu.memory_space<hbm>>
        %dma_start3A_254 = arith.constant 0 : i32
        %dma_start3A_255 = tpu.memref_slice %arg20[%add3A_251, %dma_start3A_254] : memref<8192x512xf32, #tpu.memory_space<hbm>> -> memref<16x512xf32, #tpu.memory_space<hbm>>
        tpu.enqueue_dma source(%arg24 : memref<16x512xf32, #tpu.memory_space<vmem>>) target(%dma_start3A_255 : memref<16x512xf32, #tpu.memory_space<hbm>>) target_semaphore(%arg27 : memref<!tpu.dma_semaphore, #tpu.memory_space<semaphore_mem>>)
      } else {
      }
      %dma_wait3A_166 = tpu.memref_slice %arg22[%mul3A_49] : memref<4096xi32, #tpu.memory_space<vmem>> -> memref<16xi32, #tpu.memory_space<vmem>>
      %dma_wait3A_167 = arith.constant 0 : i32
      %dma_wait3A_168 = arith.constant 0 : i32
      %dma_wait3A_169 = tpu.memref_slice %arg3[%dma_wait3A_167, %dma_wait3A_168] : memref<209x512xf32, #tpu.memory_space<hbm>> -> memref<209x512xf32, #tpu.memory_space<hbm>>
      tpu.wait_indirect_dma semaphore(%arg25 : memref<!tpu.dma_semaphore, #tpu.memory_space<semaphore_mem>>) src(%dma_wait3A_169 : memref<209x512xf32, #tpu.memory_space<hbm>>) dst(%arg23 : memref<16x512xf32, #tpu.memory_space<vmem>>)
      %eq3A_170 = arith.constant 0 : i32
      %eq3A_171 = arith.cmpi eq, %select_n3A, %eq3A_170 : i32
      %convert_element_type3A_172 = arith.extui %eq3A_171 : i1 to i32
      %cond3A_173 = arith.constant 0 : i32
      %cond3A_174 = arith.cmpi ne, %convert_element_type3A_172, %cond3A_173 : i32
      scf.if %cond3A_174 {
        %dma_start3A_250 = arith.constant 0 : i32
        %dma_start3A_251 = tpu.memref_slice %arg5[%add3A_66, %dma_start3A_250] : memref<8192x512xf32, #tpu.memory_space<hbm>> -> memref<16x512xf32, #tpu.memory_space<hbm>>
        %dma_start3A_252 = arith.constant 0 : i32
        %dma_start3A_253 = tpu.memref_slice %arg5[%add3A_66, %dma_start3A_252] : memref<8192x512xf32, #tpu.memory_space<hbm>> -> memref<16x512xf32, #tpu.memory_space<hbm>>
        tpu.enqueue_dma source(%arg23 : memref<16x512xf32, #tpu.memory_space<vmem>>) target(%dma_start3A_253 : memref<16x512xf32, #tpu.memory_space<hbm>>) target_semaphore(%arg26 : memref<!tpu.dma_semaphore, #tpu.memory_space<semaphore_mem>>)
      } else {
      }
      %eq3A_175 = arith.constant 1 : i32
      %eq3A_176 = arith.cmpi eq, %select_n3A, %eq3A_175 : i32
      %convert_element_type3A_177 = arith.extui %eq3A_176 : i1 to i32
      %cond3A_178 = arith.constant 0 : i32
      %cond3A_179 = arith.cmpi ne, %convert_element_type3A_177, %cond3A_178 : i32
      scf.if %cond3A_179 {
        %dma_start3A_250 = arith.constant 0 : i32
        %dma_start3A_251 = tpu.memref_slice %arg6[%add3A_66, %dma_start3A_250] : memref<8192x512xf32, #tpu.memory_space<hbm>> -> memref<16x512xf32, #tpu.memory_space<hbm>>
        %dma_start3A_252 = arith.constant 0 : i32
        %dma_start3A_253 = tpu.memref_slice %arg6[%add3A_66, %dma_start3A_252] : memref<8192x512xf32, #tpu.memory_space<hbm>> -> memref<16x512xf32, #tpu.memory_space<hbm>>
        tpu.enqueue_dma source(%arg23 : memref<16x512xf32, #tpu.memory_space<vmem>>) target(%dma_start3A_253 : memref<16x512xf32, #tpu.memory_space<hbm>>) target_semaphore(%arg26 : memref<!tpu.dma_semaphore, #tpu.memory_space<semaphore_mem>>)
      } else {
      }
      %eq3A_180 = arith.constant 2 : i32
      %eq3A_181 = arith.cmpi eq, %select_n3A, %eq3A_180 : i32
      %convert_element_type3A_182 = arith.extui %eq3A_181 : i1 to i32
      %cond3A_183 = arith.constant 0 : i32
      %cond3A_184 = arith.cmpi ne, %convert_element_type3A_182, %cond3A_183 : i32
      scf.if %cond3A_184 {
        %dma_start3A_250 = arith.constant 0 : i32
        %dma_start3A_251 = tpu.memref_slice %arg7[%add3A_66, %dma_start3A_250] : memref<8192x512xf32, #tpu.memory_space<hbm>> -> memref<16x512xf32, #tpu.memory_space<hbm>>
        %dma_start3A_252 = arith.constant 0 : i32
        %dma_start3A_253 = tpu.memref_slice %arg7[%add3A_66, %dma_start3A_252] : memref<8192x512xf32, #tpu.memory_space<hbm>> -> memref<16x512xf32, #tpu.memory_space<hbm>>
        tpu.enqueue_dma source(%arg23 : memref<16x512xf32, #tpu.memory_space<vmem>>) target(%dma_start3A_253 : memref<16x512xf32, #tpu.memory_space<hbm>>) target_semaphore(%arg26 : memref<!tpu.dma_semaphore, #tpu.memory_space<semaphore_mem>>)
      } else {
      }
      %eq3A_185 = arith.constant 3 : i32
      %eq3A_186 = arith.cmpi eq, %select_n3A, %eq3A_185 : i32
      %convert_element_type3A_187 = arith.extui %eq3A_186 : i1 to i32
      %cond3A_188 = arith.constant 0 : i32
      %cond3A_189 = arith.cmpi ne, %convert_element_type3A_187, %cond3A_188 : i32
      scf.if %cond3A_189 {
        %dma_start3A_250 = arith.constant 0 : i32
        %dma_start3A_251 = tpu.memref_slice %arg8[%add3A_66, %dma_start3A_250] : memref<8192x512xf32, #tpu.memory_space<hbm>> -> memref<16x512xf32, #tpu.memory_space<hbm>>
        %dma_start3A_252 = arith.constant 0 : i32
        %dma_start3A_253 = tpu.memref_slice %arg8[%add3A_66, %dma_start3A_252] : memref<8192x512xf32, #tpu.memory_space<hbm>> -> memref<16x512xf32, #tpu.memory_space<hbm>>
        tpu.enqueue_dma source(%arg23 : memref<16x512xf32, #tpu.memory_space<vmem>>) target(%dma_start3A_253 : memref<16x512xf32, #tpu.memory_space<hbm>>) target_semaphore(%arg26 : memref<!tpu.dma_semaphore, #tpu.memory_space<semaphore_mem>>)
      } else {
      }
      %eq3A_190 = arith.constant 4 : i32
      %eq3A_191 = arith.cmpi eq, %select_n3A, %eq3A_190 : i32
      %convert_element_type3A_192 = arith.extui %eq3A_191 : i1 to i32
      %cond3A_193 = arith.constant 0 : i32
      %cond3A_194 = arith.cmpi ne, %convert_element_type3A_192, %cond3A_193 : i32
      scf.if %cond3A_194 {
        %dma_start3A_250 = arith.constant 0 : i32
        %dma_start3A_251 = tpu.memref_slice %arg9[%add3A_66, %dma_start3A_250] : memref<8192x512xf32, #tpu.memory_space<hbm>> -> memref<16x512xf32, #tpu.memory_space<hbm>>
        %dma_start3A_252 = arith.constant 0 : i32
        %dma_start3A_253 = tpu.memref_slice %arg9[%add3A_66, %dma_start3A_252] : memref<8192x512xf32, #tpu.memory_space<hbm>> -> memref<16x512xf32, #tpu.memory_space<hbm>>
        tpu.enqueue_dma source(%arg23 : memref<16x512xf32, #tpu.memory_space<vmem>>) target(%dma_start3A_253 : memref<16x512xf32, #tpu.memory_space<hbm>>) target_semaphore(%arg26 : memref<!tpu.dma_semaphore, #tpu.memory_space<semaphore_mem>>)
      } else {
      }
      %eq3A_195 = arith.constant 5 : i32
      %eq3A_196 = arith.cmpi eq, %select_n3A, %eq3A_195 : i32
      %convert_element_type3A_197 = arith.extui %eq3A_196 : i1 to i32
      %cond3A_198 = arith.constant 0 : i32
      %cond3A_199 = arith.cmpi ne, %convert_element_type3A_197, %cond3A_198 : i32
      scf.if %cond3A_199 {
        %dma_start3A_250 = arith.constant 0 : i32
        %dma_start3A_251 = tpu.memref_slice %arg10[%add3A_66, %dma_start3A_250] : memref<8192x512xf32, #tpu.memory_space<hbm>> -> memref<16x512xf32, #tpu.memory_space<hbm>>
        %dma_start3A_252 = arith.constant 0 : i32
        %dma_start3A_253 = tpu.memref_slice %arg10[%add3A_66, %dma_start3A_252] : memref<8192x512xf32, #tpu.memory_space<hbm>> -> memref<16x512xf32, #tpu.memory_space<hbm>>
        tpu.enqueue_dma source(%arg23 : memref<16x512xf32, #tpu.memory_space<vmem>>) target(%dma_start3A_253 : memref<16x512xf32, #tpu.memory_space<hbm>>) target_semaphore(%arg26 : memref<!tpu.dma_semaphore, #tpu.memory_space<semaphore_mem>>)
      } else {
      }
      %eq3A_200 = arith.constant 6 : i32
      %eq3A_201 = arith.cmpi eq, %select_n3A, %eq3A_200 : i32
      %convert_element_type3A_202 = arith.extui %eq3A_201 : i1 to i32
      %cond3A_203 = arith.constant 0 : i32
      %cond3A_204 = arith.cmpi ne, %convert_element_type3A_202, %cond3A_203 : i32
      scf.if %cond3A_204 {
        %dma_start3A_250 = arith.constant 0 : i32
        %dma_start3A_251 = tpu.memref_slice %arg11[%add3A_66, %dma_start3A_250] : memref<8192x512xf32, #tpu.memory_space<hbm>> -> memref<16x512xf32, #tpu.memory_space<hbm>>
        %dma_start3A_252 = arith.constant 0 : i32
        %dma_start3A_253 = tpu.memref_slice %arg11[%add3A_66, %dma_start3A_252] : memref<8192x512xf32, #tpu.memory_space<hbm>> -> memref<16x512xf32, #tpu.memory_space<hbm>>
        tpu.enqueue_dma source(%arg23 : memref<16x512xf32, #tpu.memory_space<vmem>>) target(%dma_start3A_253 : memref<16x512xf32, #tpu.memory_space<hbm>>) target_semaphore(%arg26 : memref<!tpu.dma_semaphore, #tpu.memory_space<semaphore_mem>>)
      } else {
      }
      %eq3A_205 = arith.constant 7 : i32
      %eq3A_206 = arith.cmpi eq, %select_n3A, %eq3A_205 : i32
      %convert_element_type3A_207 = arith.extui %eq3A_206 : i1 to i32
      %cond3A_208 = arith.constant 0 : i32
      %cond3A_209 = arith.cmpi ne, %convert_element_type3A_207, %cond3A_208 : i32
      scf.if %cond3A_209 {
        %dma_start3A_250 = arith.constant 0 : i32
        %dma_start3A_251 = tpu.memref_slice %arg12[%add3A_66, %dma_start3A_250] : memref<8192x512xf32, #tpu.memory_space<hbm>> -> memref<16x512xf32, #tpu.memory_space<hbm>>
        %dma_start3A_252 = arith.constant 0 : i32
        %dma_start3A_253 = tpu.memref_slice %arg12[%add3A_66, %dma_start3A_252] : memref<8192x512xf32, #tpu.memory_space<hbm>> -> memref<16x512xf32, #tpu.memory_space<hbm>>
        tpu.enqueue_dma source(%arg23 : memref<16x512xf32, #tpu.memory_space<vmem>>) target(%dma_start3A_253 : memref<16x512xf32, #tpu.memory_space<hbm>>) target_semaphore(%arg26 : memref<!tpu.dma_semaphore, #tpu.memory_space<semaphore_mem>>)
      } else {
      }
      %eq3A_210 = arith.constant 8 : i32
      %eq3A_211 = arith.cmpi eq, %select_n3A, %eq3A_210 : i32
      %convert_element_type3A_212 = arith.extui %eq3A_211 : i1 to i32
      %cond3A_213 = arith.constant 0 : i32
      %cond3A_214 = arith.cmpi ne, %convert_element_type3A_212, %cond3A_213 : i32
      scf.if %cond3A_214 {
        %dma_start3A_250 = arith.constant 0 : i32
        %dma_start3A_251 = tpu.memref_slice %arg13[%add3A_66, %dma_start3A_250] : memref<8192x512xf32, #tpu.memory_space<hbm>> -> memref<16x512xf32, #tpu.memory_space<hbm>>
        %dma_start3A_252 = arith.constant 0 : i32
        %dma_start3A_253 = tpu.memref_slice %arg13[%add3A_66, %dma_start3A_252] : memref<8192x512xf32, #tpu.memory_space<hbm>> -> memref<16x512xf32, #tpu.memory_space<hbm>>
        tpu.enqueue_dma source(%arg23 : memref<16x512xf32, #tpu.memory_space<vmem>>) target(%dma_start3A_253 : memref<16x512xf32, #tpu.memory_space<hbm>>) target_semaphore(%arg26 : memref<!tpu.dma_semaphore, #tpu.memory_space<semaphore_mem>>)
      } else {
      }
      %eq3A_215 = arith.constant 9 : i32
      %eq3A_216 = arith.cmpi eq, %select_n3A, %eq3A_215 : i32
      %convert_element_type3A_217 = arith.extui %eq3A_216 : i1 to i32
      %cond3A_218 = arith.constant 0 : i32
      %cond3A_219 = arith.cmpi ne, %convert_element_type3A_217, %cond3A_218 : i32
      scf.if %cond3A_219 {
        %dma_start3A_250 = arith.constant 0 : i32
        %dma_start3A_251 = tpu.memref_slice %arg14[%add3A_66, %dma_start3A_250] : memref<8192x512xf32, #tpu.memory_space<hbm>> -> memref<16x512xf32, #tpu.memory_space<hbm>>
        %dma_start3A_252 = arith.constant 0 : i32
        %dma_start3A_253 = tpu.memref_slice %arg14[%add3A_66, %dma_start3A_252] : memref<8192x512xf32, #tpu.memory_space<hbm>> -> memref<16x512xf32, #tpu.memory_space<hbm>>
        tpu.enqueue_dma source(%arg23 : memref<16x512xf32, #tpu.memory_space<vmem>>) target(%dma_start3A_253 : memref<16x512xf32, #tpu.memory_space<hbm>>) target_semaphore(%arg26 : memref<!tpu.dma_semaphore, #tpu.memory_space<semaphore_mem>>)
      } else {
      }
      %eq3A_220 = arith.constant 10 : i32
      %eq3A_221 = arith.cmpi eq, %select_n3A, %eq3A_220 : i32
      %convert_element_type3A_222 = arith.extui %eq3A_221 : i1 to i32
      %cond3A_223 = arith.constant 0 : i32
      %cond3A_224 = arith.cmpi ne, %convert_element_type3A_222, %cond3A_223 : i32
      scf.if %cond3A_224 {
        %dma_start3A_250 = arith.constant 0 : i32
        %dma_start3A_251 = tpu.memref_slice %arg15[%add3A_66, %dma_start3A_250] : memref<8192x512xf32, #tpu.memory_space<hbm>> -> memref<16x512xf32, #tpu.memory_space<hbm>>
        %dma_start3A_252 = arith.constant 0 : i32
        %dma_start3A_253 = tpu.memref_slice %arg15[%add3A_66, %dma_start3A_252] : memref<8192x512xf32, #tpu.memory_space<hbm>> -> memref<16x512xf32, #tpu.memory_space<hbm>>
        tpu.enqueue_dma source(%arg23 : memref<16x512xf32, #tpu.memory_space<vmem>>) target(%dma_start3A_253 : memref<16x512xf32, #tpu.memory_space<hbm>>) target_semaphore(%arg26 : memref<!tpu.dma_semaphore, #tpu.memory_space<semaphore_mem>>)
      } else {
      }
      %eq3A_225 = arith.constant 11 : i32
      %eq3A_226 = arith.cmpi eq, %select_n3A, %eq3A_225 : i32
      %convert_element_type3A_227 = arith.extui %eq3A_226 : i1 to i32
      %cond3A_228 = arith.constant 0 : i32
      %cond3A_229 = arith.cmpi ne, %convert_element_type3A_227, %cond3A_228 : i32
      scf.if %cond3A_229 {
        %dma_start3A_250 = arith.constant 0 : i32
        %dma_start3A_251 = tpu.memref_slice %arg16[%add3A_66, %dma_start3A_250] : memref<8192x512xf32, #tpu.memory_space<hbm>> -> memref<16x512xf32, #tpu.memory_space<hbm>>
        %dma_start3A_252 = arith.constant 0 : i32
        %dma_start3A_253 = tpu.memref_slice %arg16[%add3A_66, %dma_start3A_252] : memref<8192x512xf32, #tpu.memory_space<hbm>> -> memref<16x512xf32, #tpu.memory_space<hbm>>
        tpu.enqueue_dma source(%arg23 : memref<16x512xf32, #tpu.memory_space<vmem>>) target(%dma_start3A_253 : memref<16x512xf32, #tpu.memory_space<hbm>>) target_semaphore(%arg26 : memref<!tpu.dma_semaphore, #tpu.memory_space<semaphore_mem>>)
      } else {
      }
      %eq3A_230 = arith.constant 12 : i32
      %eq3A_231 = arith.cmpi eq, %select_n3A, %eq3A_230 : i32
      %convert_element_type3A_232 = arith.extui %eq3A_231 : i1 to i32
      %cond3A_233 = arith.constant 0 : i32
      %cond3A_234 = arith.cmpi ne, %convert_element_type3A_232, %cond3A_233 : i32
      scf.if %cond3A_234 {
        %dma_start3A_250 = arith.constant 0 : i32
        %dma_start3A_251 = tpu.memref_slice %arg17[%add3A_66, %dma_start3A_250] : memref<8192x512xf32, #tpu.memory_space<hbm>> -> memref<16x512xf32, #tpu.memory_space<hbm>>
        %dma_start3A_252 = arith.constant 0 : i32
        %dma_start3A_253 = tpu.memref_slice %arg17[%add3A_66, %dma_start3A_252] : memref<8192x512xf32, #tpu.memory_space<hbm>> -> memref<16x512xf32, #tpu.memory_space<hbm>>
        tpu.enqueue_dma source(%arg23 : memref<16x512xf32, #tpu.memory_space<vmem>>) target(%dma_start3A_253 : memref<16x512xf32, #tpu.memory_space<hbm>>) target_semaphore(%arg26 : memref<!tpu.dma_semaphore, #tpu.memory_space<semaphore_mem>>)
      } else {
      }
      %eq3A_235 = arith.constant 13 : i32
      %eq3A_236 = arith.cmpi eq, %select_n3A, %eq3A_235 : i32
      %convert_element_type3A_237 = arith.extui %eq3A_236 : i1 to i32
      %cond3A_238 = arith.constant 0 : i32
      %cond3A_239 = arith.cmpi ne, %convert_element_type3A_237, %cond3A_238 : i32
      scf.if %cond3A_239 {
        %dma_start3A_250 = arith.constant 0 : i32
        %dma_start3A_251 = tpu.memref_slice %arg18[%add3A_66, %dma_start3A_250] : memref<8192x512xf32, #tpu.memory_space<hbm>> -> memref<16x512xf32, #tpu.memory_space<hbm>>
        %dma_start3A_252 = arith.constant 0 : i32
        %dma_start3A_253 = tpu.memref_slice %arg18[%add3A_66, %dma_start3A_252] : memref<8192x512xf32, #tpu.memory_space<hbm>> -> memref<16x512xf32, #tpu.memory_space<hbm>>
        tpu.enqueue_dma source(%arg23 : memref<16x512xf32, #tpu.memory_space<vmem>>) target(%dma_start3A_253 : memref<16x512xf32, #tpu.memory_space<hbm>>) target_semaphore(%arg26 : memref<!tpu.dma_semaphore, #tpu.memory_space<semaphore_mem>>)
      } else {
      }
      %eq3A_240 = arith.constant 14 : i32
      %eq3A_241 = arith.cmpi eq, %select_n3A, %eq3A_240 : i32
      %convert_element_type3A_242 = arith.extui %eq3A_241 : i1 to i32
      %cond3A_243 = arith.constant 0 : i32
      %cond3A_244 = arith.cmpi ne, %convert_element_type3A_242, %cond3A_243 : i32
      scf.if %cond3A_244 {
        %dma_start3A_250 = arith.constant 0 : i32
        %dma_start3A_251 = tpu.memref_slice %arg19[%add3A_66, %dma_start3A_250] : memref<8192x512xf32, #tpu.memory_space<hbm>> -> memref<16x512xf32, #tpu.memory_space<hbm>>
        %dma_start3A_252 = arith.constant 0 : i32
        %dma_start3A_253 = tpu.memref_slice %arg19[%add3A_66, %dma_start3A_252] : memref<8192x512xf32, #tpu.memory_space<hbm>> -> memref<16x512xf32, #tpu.memory_space<hbm>>
        tpu.enqueue_dma source(%arg23 : memref<16x512xf32, #tpu.memory_space<vmem>>) target(%dma_start3A_253 : memref<16x512xf32, #tpu.memory_space<hbm>>) target_semaphore(%arg26 : memref<!tpu.dma_semaphore, #tpu.memory_space<semaphore_mem>>)
      } else {
      }
      %eq3A_245 = arith.constant 15 : i32
      %eq3A_246 = arith.cmpi eq, %select_n3A, %eq3A_245 : i32
      %convert_element_type3A_247 = arith.extui %eq3A_246 : i1 to i32
      %cond3A_248 = arith.constant 0 : i32
      %cond3A_249 = arith.cmpi ne, %convert_element_type3A_247, %cond3A_248 : i32
      scf.if %cond3A_249 {
        %dma_start3A_250 = arith.constant 0 : i32
        %dma_start3A_251 = tpu.memref_slice %arg20[%add3A_66, %dma_start3A_250] : memref<8192x512xf32, #tpu.memory_space<hbm>> -> memref<16x512xf32, #tpu.memory_space<hbm>>
        %dma_start3A_252 = arith.constant 0 : i32
        %dma_start3A_253 = tpu.memref_slice %arg20[%add3A_66, %dma_start3A_252] : memref<8192x512xf32, #tpu.memory_space<hbm>> -> memref<16x512xf32, #tpu.memory_space<hbm>>
        tpu.enqueue_dma source(%arg23 : memref<16x512xf32, #tpu.memory_space<vmem>>) target(%dma_start3A_253 : memref<16x512xf32, #tpu.memory_space<hbm>>) target_semaphore(%arg26 : memref<!tpu.dma_semaphore, #tpu.memory_space<semaphore_mem>>)
      } else {
      }
    }
    %scan3A_15 = arith.constant 128 : i32
    %dma_wait3A = arith.constant 0 : i32
    %dma_wait3A_16 = arith.constant 0 : i32
    %dma_wait3A_17 = tpu.memref_slice %arg5[%dma_wait3A, %dma_wait3A_16] : memref<8192x512xf32, #tpu.memory_space<hbm>> -> memref<16x512xf32, #tpu.memory_space<hbm>>
    %dma_wait3A_18 = arith.constant 0 : i32
    %dma_wait3A_19 = arith.constant 0 : i32
    %dma_wait3A_20 = tpu.memref_slice %arg5[%dma_wait3A_18, %dma_wait3A_19] : memref<8192x512xf32, #tpu.memory_space<hbm>> -> memref<16x512xf32, #tpu.memory_space<hbm>>
    tpu.wait_dma2 semaphore(%arg26 : memref<!tpu.dma_semaphore, #tpu.memory_space<semaphore_mem>>) src(%arg23 : memref<16x512xf32, #tpu.memory_space<vmem>>) dst(%dma_wait3A_20 : memref<16x512xf32, #tpu.memory_space<hbm>>)
    %dma_wait3A_21 = arith.constant 0 : i32
    %dma_wait3A_22 = arith.constant 0 : i32
    %dma_wait3A_23 = tpu.memref_slice %arg5[%dma_wait3A_21, %dma_wait3A_22] : memref<8192x512xf32, #tpu.memory_space<hbm>> -> memref<16x512xf32, #tpu.memory_space<hbm>>
    %dma_wait3A_24 = arith.constant 0 : i32
    %dma_wait3A_25 = arith.constant 0 : i32
    %dma_wait3A_26 = tpu.memref_slice %arg5[%dma_wait3A_24, %dma_wait3A_25] : memref<8192x512xf32, #tpu.memory_space<hbm>> -> memref<16x512xf32, #tpu.memory_space<hbm>>
    tpu.wait_dma2 semaphore(%arg27 : memref<!tpu.dma_semaphore, #tpu.memory_space<semaphore_mem>>) src(%arg24 : memref<16x512xf32, #tpu.memory_space<vmem>>) dst(%dma_wait3A_26 : memref<16x512xf32, #tpu.memory_space<hbm>>)
    return
  }
}

</mosaic_0001>

<sc_bundles>
// kernel: kernel.3.cloned.1.call-start
scs
__scs_entry_jumppad:
0x0: {  	(pc) =	sbr.rel $0x88, $3  }
0x1: {  	(tag) =	ssettag $0x0;
	lr =	simm.s32 $0x1  }
0x2: {  	[smem:$0x3F9F] =	sst lr;
	_ =	strace $0xD0000000  }
0x3: {  	_ = 	snop  }
0x4: {  	_ = 	snop  }
0x5: {  	_ = 	snop  }
0x6: {  	_ = 	snop  }
0x7: {  	_ = 	snop  }
__scs_overlays_trampoline_lowered:
0x8: {  	[smem:$0x3FAE] =	sst s0  }
0x9: {  	[smem:$0x3FAF] =	sst s1  }
0xa: {  	[smem:$0x3FB0] =	sst s2  }
0xb: {  	[smem:$0x3FB1] =	sst s3  }
0xc: {  	[smem:$0x3FB2] =	sst s4  }
0xd: {  	[smem:$0x3FB3] =	sst s5  }
0xe: {  	[smem:$0x3FB4] =	sst s6  }
0xf: {  	[smem:$0x3FB5] =	sst s7  }
0x10: {  	[smem:$0x3FB6] =	sst s8  }
0x11: {  	[smem:$0x3FB7] =	sst s9;
	s0 =	simm.s32 @!p0 $0x0  }
0x12: {  	s1 =	sld [smem:$0x3F9D];
	s0 =	simm.s32 @p0 $0x1  }
0x13: {  	[smem:$0x3FB8] =	sst s0;
	s0 =	simm.s32 @!p1 $0x0  }
0x14: {  	s2 =	sld [smem:$0x3F9C];
	s0 =	simm.s32 @p1 $0x1  }
0x15: {  	[smem:$0x3FB9] =	sst s0;
	s0 =	simm.s32 @!p2 $0x0  }
0x16: {  	s3 =	sld [smem:$0x3FDB];
	s0 =	simm.s32 @p2 $0x1  }
0x17: {  	s4 =	simm.s32 $0x1BF5;
	[smem:$0x3FBB] =	sst s0  }
0x18: {  	s0 =	sld [smem:$0x3F9E];
	_ =	swait.ge [sflag:s4], $0x0  }
0x19: {  	s7 =	sld [smem:$0x3F9F]  }
0x1a: {  	s8 =	sadd.s32 $0xFFFFE003, lr  }
0x1b: {  	s9 =	sadd.s32 $0xFFFFFEF7, lr;
	s5 =	simm.s32 $0xFFFFFFFF;
	p2 =	slt.u32 s8, $0xFFFFF086  }
0x1c: {  	p1 =	slt.u32 s9, $0xF7A;
	s5 =	simm.s32 @!p2 $0x0  }
0x1d: {  	s5 =	simm.s32 @p1 $0x1;
	p0 =	seq.s32 s7, s2  }
0x1e: {  	s7 =	smul.u32 @!p0 $0xF7A, s2;
	p2 =	seq.s32 @!p0 s5, $0x0  }
0x1f: {  	s9 =	smul.u32 $0xF7A, s1;
	s8 =	simm.s32 @!p0 $0x1BF5;
	p2 =	por !p2, p0  }
0x20: {  	[sflag:s8] =	ssyncset.s32 @!p0 $0xFFFFF086;
	s6 =	sadd.s32 @!p0 s3, s7;
	s7 =	simm.s32 @!p0 $0x108  }
0x21: {  	s3 =	sadd.s32 s3, s9;
	s6 =	sadd.s32 @!p0 $0x88, s6;
	s7 =	simm.s32 @p2 $0x1082  }
0x22: {  	[simem:s7], [sflag:s8] =	dma.local @!p0 [hbm:s6], $0xF7A  }
0x23: {  	s9 =	sor.u32 $0xD0000000, s2;
	s6 =	simm.s32 $0x108;
	_ =	swait.ge @!p0 [sflag:s8], $0x0  }
0x24: {  	s3 =	sadd.s32 $0x88, s3;
	s6 =	simm.s32 @!p1 $0x1082;
	[sflag:s4] =	ssyncset.s32 $0xFFFFF086  }
0x25: {  	[simem:s6], [sflag:s4] =	dma.local [hbm:s3], $0xF7A  }
0x26: {  	[smem:$0x3F9F] =	sst s1;
	(tag) =	ssettag s2;
	_ =	strace s9  }
0x27: {  	s1 =	sld [smem:$0x3FAF]  }
0x28: {  	s2 =	sld [smem:$0x3FB0]  }
0x29: {  	s4 =	sld [smem:$0x3FB2]  }
0x2a: {  	p0 =	seq.s32 s5, $0x0;
	s5 =	sld [smem:$0x3FB3]  }
0x2b: {  	s6 =	sld [smem:$0x3FB4]  }
0x2c: {  	s7 =	sld [smem:$0x3FB5]  }
0x2d: {  	s3 =	simm.s32 $0x108;
	s8 =	sld [smem:$0x3FB6]  }
0x2e: {  	s3 =	simm.s32 @!p0 $0x1082;
	s9 =	sld [smem:$0x3FB7]  }
0x2f: {  	lr =	sadd.s32 s0, s3;
	s0 =	sld [smem:$0x3FAE]  }
0x30: {  	s3 =	sld [smem:$0x3FB1]  }
0x31: {  	[smem:$0x3FBA] =	sst s10  }
0x32: {  	s10 =	sld [smem:$0x3FB8];
	_ =	sdelay $0x3  }
0x33: {  	p0 =	seq.s32 s10, $0x1;
	s10 =	sld [smem:$0x3FBA];
	_ =	sdelay $0x3  }
0x34: {  	[smem:$0x3FBA] =	sst s10  }
0x35: {  	s10 =	sld [smem:$0x3FB9];
	_ =	sdelay $0x3  }
0x36: {  	p1 =	seq.s32 s10, $0x1;
	s10 =	sld [smem:$0x3FBA];
	_ =	sdelay $0x3  }
0x37: {  	[smem:$0x3FBA] =	sst s10  }
0x38: {  	s10 =	sld [smem:$0x3FBB]  }
0x39: {  	_ = 	snop;
	(pc) =	sbr.ind lr, $3  }
0x3a: {  	_ = 	snop  }
0x3b: {  	_ = 	snop  }
0x3c: {  	p2 =	seq.s32 s10, $0x1;
	s10 =	sld [smem:$0x3FBA]  }
0x3d: {  	_ =	shalt  }
0x3e: {  	_ =	shalt  }
0x3f: {  	_ =	shalt  }
0x40: {  	_ =	shalt  }
0x41: {  	_ =	shalt  }
0x42: {  	_ =	shalt  }
0x43: {  	_ =	shalt  }
0x44: {  	_ =	shalt  }
0x45: {  	_ =	shalt  }
0x46: {  	_ =	shalt  }
0x47: {  	_ =	shalt  }
0x48: {  	_ =	shalt  }
0x49: {  	_ =	shalt  }
0x4a: {  	_ =	shalt  }
0x4b: {  	_ =	shalt  }
0x4c: {  	_ =	shalt  }
0x4d: {  	_ =	shalt  }
0x4e: {  	_ =	shalt  }
0x4f: {  	_ =	shalt  }
0x50: {  	_ =	shalt  }
0x51: {  	_ =	shalt  }
0x52: {  	_ =	shalt  }
0x53: {  	_ =	shalt  }
0x54: {  	_ =	shalt  }
0x55: {  	_ =	shalt  }
0x56: {  	_ =	shalt  }
0x57: {  	_ =	shalt  }
0x58: {  	_ =	shalt  }
0x59: {  	_ =	shalt  }
0x5a: {  	_ =	shalt  }
0x5b: {  	_ =	shalt  }
0x5c: {  	_ =	shalt  }
0x5d: {  	_ =	shalt  }
0x5e: {  	_ =	shalt  }
0x5f: {  	_ =	shalt  }
0x60: {  	_ =	shalt  }
0x61: {  	_ =	shalt  }
0x62: {  	_ =	shalt  }
0x63: {  	_ =	shalt  }
0x64: {  	_ =	shalt  }
0x65: {  	_ =	shalt  }
0x66: {  	_ =	shalt  }
0x67: {  	_ =	shalt  }
0x68: {  	_ =	shalt  }
0x69: {  	_ =	shalt  }
0x6a: {  	_ =	shalt  }
0x6b: {  	_ =	shalt  }
0x6c: {  	_ =	shalt  }
0x6d: {  	_ =	shalt  }
0x6e: {  	_ =	shalt  }
0x6f: {  	_ =	shalt  }
0x70: {  	_ =	shalt  }
0x71: {  	_ =	shalt  }
0x72: {  	_ =	shalt  }
0x73: {  	_ =	shalt  }
0x74: {  	_ =	shalt  }
0x75: {  	_ =	shalt  }
0x76: {  	_ =	shalt  }
0x77: {  	_ =	shalt  }
0x78: {  	_ =	shalt  }
0x79: {  	_ =	shalt  }
0x7a: {  	_ =	shalt  }
0x7b: {  	_ =	shalt  }
0x7c: {  	_ =	shalt  }
0x7d: {  	_ =	shalt  }
0x7e: {  	_ =	shalt  }
0x7f: {  	_ =	shalt  }
0x80: {  	_ =	shalt  }
0x81: {  	_ =	shalt  }
0x82: {  	_ =	shalt  }
0x83: {  	_ =	shalt  }
0x84: {  	_ =	shalt  }
0x85: {  	_ =	shalt  }
0x86: {  	_ =	shalt  }
0x87: {  	_ =	shalt  }
.Lfunc_end0:
.L_simem_size_0:
called_computation_lowered:
.L_overlay_start_0:
0x88: {  	s2 =	sld [smem:$0x3FD9]  }
0x89: {  	s3 =	sld [smem:$0x3FFE];
	_ =	sdelay $0x1  }
0x8a: {  	s1 =	srdreg.scid  }
0x8b: {  	s0 =	sand.u32 $0x1, s1  }
0x8c: {  	s21 =	sshll.u32 s0, $0xA;
	s2 =	sadd.s32 s3, s2  }
0x8d: {  	s2 =	sadd.s32 s2, s21  }
0x8e: {  	[smem:$0x3FC6] =	sst s2  }
0x8f: {  	_ = 	snop  }
0x90: {  	s11 =	sld [smem:$0x3FD0];
	_ =	sdelay $0x2  }
0x91: {  	s15 =	simm.s32 $0xA;
	s12 =	simm.s32 $0x10;
	s2 =	sld [smem:$0x3FC8]  }
0x92: {  	[smem:s12], [sflag:s15] =	dma.local [hbm:s11], $0x1  }
0x93: {  	_ =	swait.eq [sflag:s15], $0x1  }
0x94: {  	s3 =	sld [smem:$0x10]  }
0x95: {  	s4 =	sld [smem:$0x11]  }
0x96: {  	s5 =	sld [smem:$0x12]  }
0x97: {  	s6 =	sld [smem:$0x13]  }
0x98: {  	s7 =	sld [smem:$0x14]  }
0x99: {  	s8 =	sld [smem:$0x15];
	[sflag:s15] =	ssyncset.done $0x0  }
0x9a: {  	s9 =	sld [smem:$0x16];
	[sflag:s15] =	ssyncadd.s32 $0xFFFFFFFF  }
0x9b: {  	s11 =	sadd.s32 $0x1, s11;
	s10 =	sld [smem:$0x17]  }
0x9c: {  	[smem:s12], [sflag:s15] =	dma.local [hbm:s11], $0x1  }
0x9d: {  	_ =	swait.eq [sflag:s15], $0x1  }
0x9e: {  	s11 =	sld [smem:$0x10]  }
0x9f: {  	s12 =	sld [smem:$0x11]  }
0xa0: {  	s13 =	sld [smem:$0x12]  }
0xa1: {  	s14 =	sld [smem:$0x13]  }
0xa2: {  	s16 =	sld [smem:$0x14]  }
0xa3: {  	s17 =	sld [smem:$0x15];
	[sflag:s15] =	ssyncset.done $0x0  }
0xa4: {  	s18 =	sld [smem:$0x16];
	[sflag:s15] =	ssyncadd.s32 $0xFFFFFFFF  }
0xa5: {  	s19 =	sld [smem:$0x17];
	(tm) =	ssettm $0x1  }
0xa6: {  	s22 =	sld [smem:$0x3FFB];
	_ =	sdelay $0x3  }
0xa7: {  	_ =	strace s22  }
0xa8: {  	s15 =	sld [smem:$0x3FFC];
	_ =	sdelay $0x3  }
0xa9: {  	_ =	strace s15  }
0xaa: {  	s15 =	sld [smem:$0x3FFD];
	_ =	sdelay $0x3  }
0xab: {  	_ =	strace s15  }
0xac: {  	_ =	strace $0x8FFFFFFF  }
0xad: {  	s23 =	sld [smem:$0x3FDB];
	_ =	sdelay $0x1  }
0xae: {  	s20 =	simm.s32 $_scs_section_size  }
0xaf: {  	s26 =	simm.s32 $0x1BFF;
	s22 =	simm.s32 $_tile_task_arg_handler_lowered  }
0xb0: {  	s21 =	simm.s32 $_size__tile_task_arg_handler_lowered;
	s25 =	sshll.u32 s22, $0x1;
	s20 =	sadd.s32 s20, s23  }
0xb1: {  	s24 =	sshll.u32 s21, $0x1;
	s23 =	simm.s32 $0x60;
	s21 =	sadd.s32 s25, s20  }
0xb2: {  	[timem:s23], [sflag:s26] =	dma.local [hbm:s21], s24  }
0xb3: {  	_ =	swait.ge [sflag:s26], s24  }
0xb4: {  	s28 =	simm.s32 $_tile_overlayer_lowered;
	s15 =	ssub.s32 $0x0, s24;
	[sflag:s26] =	ssyncset.done $0x0  }
0xb5: {  	s29 =	simm.s32 $_size__tile_overlayer_lowered;
	s21 =	sshll.u32 s28, $0x1;
	[sflag:s26] =	ssyncadd.s32 s15  }
0xb6: {  	s30 =	sshll.u32 s29, $0x1;
	s21 =	sadd.s32 s21, s20;
	s15 =	simm.s32 $0x0  }
0xb7: {  	[timem:s15], [sflag:s26] =	dma.local [hbm:s21], s30  }
0xb8: {  	_ =	swait.ge [sflag:s26], s30  }
0xb9: {  	s31 =	ssub.s32 $0x0, s30;
	[sflag:s26] =	ssyncset.done $0x0  }
0xba: {  	[sflag:s26] =	ssyncadd.s32 s31;
	_ =	sdelay $0x1  }
0xbb: {  	s23 =	simm.s32 $0x1B8B  }
0xbc: {  	_ =	swait.ge [sflag:s23], $0x1  }
0xbd: {  	[sflag:s23] =	ssyncset.done $0x0  }
0xbe: {  	s25 =	simm.s32 $0x1B8E;
	s24 =	sld [smem:$0x3FFE];
	[sflag:s23] =	ssyncadd.s32 $0xFFFFFFFF  }
0xbf: {  	s26 =	simm.s32 $execute0_lowered;
	[smem:$0x3FD2] =	sst s25  }
0xc0: {  	s22 =	sshll.u32 s26, $0x1;
	_ =	strace $0x80000046;
	[dreg:$0x1] =	wrdreg $0xFFFFFFFF  }
0xc1: {  	s28 =	simm.s32 $_size_execute0_lowered;
	s20 =	sadd.s32 s20, s22;
	[dreg:$0x0] =	wrdreg $0x0  }
0xc2: {  	s22 =	sshll.u32 s28, $0x1;
	[dreg:$0x2] =	wrdreg s20  }
0xc3: {  	[dreg:$0x3] =	wrdreg s22  }
0xc4: {  	[dreg:$0x4] =	wrdreg $0xC0  }
0xc5: {  	_ =	task [dreg:s15], $0x5FFFF  }
0xc6: {  	[dreg:$0x1] =	wrdreg $0xFFFFFFFF  }
0xc7: {  	[dreg:$0x0] =	wrdreg $0x30  }
0xc8: {  	[dreg:$0x2] =	wrdreg $0x0  }
0xc9: {  	[dreg:$0x3] =	wrdreg s16  }
0xca: {  	[dreg:$0x4] =	wrdreg s17  }
0xcb: {  	[dreg:$0x5] =	wrdreg s18  }
0xcc: {  	[dreg:$0x6] =	wrdreg s19  }
0xcd: {  	[dreg:$0x7] =	wrdreg $0x9  }
0xce: {  	_ =	task [dreg:s15], $0x8FFFF  }
0xcf: {  	[dreg:$0x1] =	wrdreg $0xFFFFFFFF  }
0xd0: {  	[dreg:$0x0] =	wrdreg $0x60  }
0xd1: {  	[dreg:$0x2] =	wrdreg s24  }
0xd2: {  	[dreg:$0x3] =	wrdreg s2  }
0xd3: {  	[dreg:$0x4] =	wrdreg s3  }
0xd4: {  	[dreg:$0x5] =	wrdreg s4  }
0xd5: {  	[dreg:$0x6] =	wrdreg s5  }
0xd6: {  	[dreg:$0x7] =	wrdreg s6  }
0xd7: {  	[dreg:$0x8] =	wrdreg s7  }
0xd8: {  	[dreg:$0x9] =	wrdreg s8  }
0xd9: {  	[dreg:$0xa] =	wrdreg s9  }
0xda: {  	[dreg:$0xb] =	wrdreg s10  }
0xdb: {  	[dreg:$0xc] =	wrdreg s11  }
0xdc: {  	[dreg:$0xd] =	wrdreg s12  }
0xdd: {  	[dreg:$0xe] =	wrdreg s13  }
0xde: {  	[dreg:$0xf] =	wrdreg s14  }
0xdf: {  	_ =	task.clear_ibuf [dreg:s15], $0x10FFFF;
	_ =	strace $0x90000046  }
0xe0: {  	s29 =	simm.s32 $0x9;
	_ =	strace $0x80000048  }
0xe1: {  	_ =	swait.ge [sflag:s29], $0x1  }
0xe2: {  	[sflag:s29] =	ssyncadd.s32 $0xFFFFFFFF  }
0xe3: {  	_ =	strace $0x90000048  }
0xe4: {  	_ =	sfence  }
0xe5: {  	s30 =	sld [smem:$0x0];
	_ =	sdelay $0x2  }
0xe6: {  	s31 =	sshll.u32 s1, $0xD;
	s1 =	sshrl.u32 s1, $0x2  }
0xe7: {  	s3 =	sand.u32 $0x4000, s31;
	s1 =	sadd.s32 s1, s30  }
0xe8: {  	s0 =	sor.u32 s3, s0;
	s1 =	sshll.u32 s1, $0x11  }
0xe9: {  	s0 =	sor.u32 s1, s0  }
0xea: {  	s0 =	sadd.s32 $0x8F2B, s0  }
0xeb: {  	[sflag:s0] =	ssyncadd.remote.s32 $0x1  }
0xec: {  	_ =	sfence.sel $0xFFFF  }
0xed: {  	[dreg:$0x0] =	wrdreg $0xFFFFFFFF;
	(pc) =	sbr.abs _section_cstart, $3  }
0xee: {  	[dreg:$0x1] =	wrdreg $0xFFFFFFFF  }
0xef: {  	_ =	task.clear_ibuf [dreg:s15], $0x2FFFF;
	_ =	strace $0x9FFFFFFF  }
0xf0: {  	(tm) =	ssettm $0x7FFFFFFF  }
0xf1: {  	_ =	shalt  }
tec
_tile_task_arg_handler_lowered:
.L_overlay_start_1:
0x0: {  	(tag) =	ssettag $0x1  }
0x1: {  	s0 =	rddreg [dreg:$0x0]  }
0x2: {  	s1 =	rddreg [dreg:$0x1]  }
0x3: {  	s2 =	rddreg [dreg:$0x2]  }
0x4: {  	s3 =	rddreg [dreg:$0x3]  }
0x5: {  	s4 =	rddreg [dreg:$0x4]  }
0x6: {  	s5 =	rddreg [dreg:$0x5]  }
0x7: {  	s6 =	rddreg [dreg:$0x6]  }
0x8: {  	s7 =	rddreg [dreg:$0x7]  }
0x9: {  	s8 =	rddreg [dreg:$0x8]  }
0xa: {  	s9 =	rddreg [dreg:$0x9]  }
0xb: {  	s10 =	rddreg [dreg:$0xa]  }
0xc: {  	s11 =	rddreg [dreg:$0xb]  }
0xd: {  	s12 =	rddreg [dreg:$0xc]  }
0xe: {  	s13 =	rddreg [dreg:$0xd]  }
0xf: {  	[smem:s0] =	sst s1  }
0x10: {  	[smem:s0+$0x1] =	sst s2  }
0x11: {  	[smem:s0+$0x2] =	sst s3  }
0x12: {  	[smem:s0+$0x3] =	sst s4  }
0x13: {  	[smem:s0+$0x4] =	sst s5  }
0x14: {  	[smem:s0+$0x5] =	sst s6  }
0x15: {  	[smem:s0+$0x6] =	sst s7  }
0x16: {  	[smem:s0+$0x7] =	sst s8  }
0x17: {  	[smem:s0+$0x8] =	sst s9  }
0x18: {  	[smem:s0+$0x9] =	sst s10  }
0x19: {  	[smem:s0+$0xA] =	sst s11  }
0x1a: {  	[smem:s0+$0xB] =	sst s12  }
0x1b: {  	[smem:s0+$0xC] =	sst s13;
	_ =	shalt  }
.Lfunc_end2:
execute0_lowered:
.L_overlay_start_2:
0x1c: {  	(tag) =	ssettag $0x2  }
0x1d: {  	s0 =	rddreg [dreg:$0x0]  }
0x1e: {  	s5 =	rddreg [dreg:$0x1]  }
0x1f: {  	s6 =	rddreg [dreg:$0x2]  }
0x20: {  	s7 =	rddreg [dreg:$0x3]  }
0x21: {  	s8 =	rddreg [dreg:$0x4]  }
0x22: {  	s9 =	rddreg [dreg:$0x5]  }
0x23: {  	s10 =	rddreg [dreg:$0x6]  }
0x24: {  	s11 =	rddreg [dreg:$0x7]  }
0x25: {  	s12 =	rddreg [dreg:$0x8]  }
0x26: {  	s13 =	rddreg [dreg:$0x9]  }
0x27: {  	s15 =	rddreg [dreg:$0xa]  }
0x28: {  	s16 =	rddreg [dreg:$0xb]  }
0x29: {  	s17 =	rddreg [dreg:$0xc]  }
0x2a: {  	s18 =	rddreg [dreg:$0xd];
	s14 =	simm.s32 $0x0  }
0x2b: {  	[smem:$0x7FF] =	sst s14  }
0x2c: {  	s3 =	stileid.u32;
	s19 =	sld [smem:$0x0]  }
0x2d: {  	s2 =	srdreg.scid;
	s26 =	sshll.u32 s3, $0xA;
	s20 =	sld [smem:$0x1]  }
0x2e: {  	s2 =	sand.u32 $0x1, s2;
	s3 =	sshll.u32 s3, $0x1;
	s1 =	sld [smem:$0x4]  }
0x2f: {  	s21 =	sld [smem:$0x2];
	s4 =	ssub.s32 $0x2, s2;
	s2 =	sor.u32 s2, s3  }
0x30: {  	s22 =	sld [smem:$0x3];
	s3 =	sshll.u32 s2, $0x4  }
0x31: {  	s29 =	sshll.u32 s2, $0x8;
	s2 =	sshll.u32 s2, $0xE;
	[dreg:$0x1d] =	wrdreg s1  }
0x32: {  	s31 =	sadd.s32 s6, s2;
	_ =	strace $0x80000047;
	[smem:$0x7E6] =	sst s29  }
0x33: {  	s30 =	sadd.s32 $0x400, s6;
	[smem:$0x7E8] =	sst s31  }
0x34: {  	s2 =	sadd.s32 s2, s30;
	[smem:$0x7E9] =	sst s30  }
0x35: {  	[smem:$0x7EA] =	sst s2  }
0x36: {  	[smem:$0x7ED] =	sst s22  }
0x37: {  	[smem:$0x7EF] =	sst s21  }
0x38: {  	s6 =	sadd.s32 $0x400, s20;
	[dreg:$0x1f] =	wrdreg s20  }
0x39: {  	[smem:$0x7F1] =	sst s6  }
0x3a: {  	s23 =	sadd.s32 $0x400, s15;
	[dreg:$0x1e] =	wrdreg s19  }
0x3b: {  	s24 =	sadd.s32 $0x400, s13;
	[smem:$0x7F6] =	sst s23  }
0x3c: {  	s25 =	sadd.s32 $0x400, s12;
	[smem:$0x7F7] =	sst s24  }
0x3d: {  	s1 =	sand.u32 $0x3000, s26;
	s26 =	sadd.s32 $0x400, s11;
	[smem:$0x7F8] =	sst s25  }
0x3e: {  	s1 =	sadd.s32 s1, s0;
	s0 =	sadd.s32 $0x800, s0;
	[smem:$0x7F9] =	sst s26  }
0x3f: {  	s19 =	sadd.s32 $0x400, s19;
	[smem:$0x7E5] =	sst s0  }
0x40: {  	v0 =	vlaneseq.u32;
	s20 =	sadd.s32 $0x400, s18;
	[smem:$0x7F2] =	sst s19  }
0x41: {  	vm0 =	vmmov $0xffff;
	v2 =	vshrl.u32 v0, $0x3;
	v1 =	vand.u32 $0x7, v0;
	s29 =	sadd.s32 $0x400, s9;
	[smem:$0x7F3] =	sst s20  }
0x42: {  	v3 =	vor.u32 $0x8, v0;
	v4 =	vor.u32 $0x10, v0;
	v5 =	vor.u32 $0x20, v0;
	s28 =	sshrl.u32 s4, $0x1;
	s30 =	sadd.s32 $0x400, s8;
	[smem:$0x7FB] =	sst s29  }
0x43: {  	v6 =	vor.u32 $0x30, v0;
	v7 =	vor.u32 $0x40, v0;
	v8 =	vor.u32 $0x50, v0;
	s3 =	sand.u32 $0x70, s3;
	s31 =	sadd.s32 $0x400, s7;
	[smem:$0x7FC] =	sst s30  }
0x44: {  	v9 =	vor.u32 $0x60, v0;
	v10 =	vor.u32 $0x70, v0;
	v11 =	vor.u32 $0x80, v0;
	s1 =	sadd.s32 s3, s1;
	s3 =	sadd.s32 $0x100, s5;
	[smem:$0x7FD] =	sst s31  }
0x45: {  	v12 =	vor.u32 $0x90, v0;
	v13 =	vor.u32 $0xA0, v0;
	v14 =	vor.u32 $0xB0, v0;
	s0 =	ssub.s32 s4, s28;
	s4 =	sadd.s32 $0x400, s22;
	[smem:$0x7EC] =	sst s3  }
0x46: {  	v15 =	vor.u32 $0xC0, v0;
	v16 =	vor.u32 $0xD0, v0;
	v17 =	vor.u32 $0xE0, v0;
	s5 =	sadd.s32 $0x400, s21;
	[smem:$0x7EE] =	sst s4  }
0x47: {  	v18 =	vor.u32 $0xF0, v0;
	v19 =	vor.u32 $0x100, v0;
	v20 =	vor.u32 $0x110, v0;
	s21 =	sadd.s32 $0x400, s17;
	[smem:$0x7F0] =	sst s5  }
.Ltmp0:
0x48: {  	v21 =	vor.u32 $0x120, v0;
	v22 =	vor.u32 $0x130, v0;
	v23 =	vor.u32 $0x140, v0;
	s22 =	sadd.s32 $0x400, s16;
	[smem:$0x7F4] =	sst s21;
	(pc) =	sbr.rel .LBB3_1-.Ltmp0, $4  }
0x49: {  	v24 =	vor.u32 $0x150, v0;
	v25 =	vor.u32 $0x160, v0;
	v26 =	vor.u32 $0x170, v0;
	s28 =	sadd.s32 $0x400, s10;
	[smem:$0x7F5] =	sst s22  }
0x4a: {  	v27 =	vor.u32 $0x180, v0;
	v28 =	vor.u32 $0x190, v0;
	v29 =	vor.u32 $0x1A0, v0;
	s1 =	sadd.s32 $0x3E00, s1;
	[smem:$0x7FA] =	sst s28  }
0x4b: {  	v30 =	vor.u32 $0x1B0, v0;
	v31 =	vor.u32 $0x1C0, v0;
	v32 =	vor.u32 $0x1D0, v0;
	s0 =	smax.u32 s0, $0x1;
	[smem:$0x7E7] =	sst s1  }
0x4c: {  	v33 =	vor.u32 $0x1E0, v0;
	v34 =	vor.u32 $0x1F0, v0;
	v2 =	vmul.u32 $0x8, v2;
	s2 =	simm.s32 $0x0;
	[smem:$0x7EB] =	sst s0  }
.LBB3_45:
0x4d: {  	s0 =	simm.s32 $0x2  }
0x4e: {  	_ =	swait.ge [sflag:s0], $0x2000  }
0x4f: {  	[sflag:s0] =	ssyncset.done $0x0  }
0x50: {  	s1 =	simm.s32 $0x3;
	[sflag:s0] =	ssyncadd.s32 $0xFFFFE000  }
0x51: {  	_ =	swait.ge [sflag:s1], $0x2000  }
0x52: {  	s2 =	sld [smem:$0x7E4]  }
0x53: {  	s31 =	sld [smem:$0x7EB];
	_ =	sdelay $0x1  }
0x54: {  	s2 =	sadd.s32 $0x1, s2  }
0x55: {  	p0 =	sne.s32 s2, s31  }
.Ltmp1:
0x56: {  	_ = 	snop;
	(pc) =	sbr.rel @!p0 .LBB3_46-.Ltmp1, $3  }
0x57: {  	_ =	sdelay $0x1  }
0x58: {  	[sflag:s1] =	ssyncset.done $0x0  }
0x59: {  	[sflag:s1] =	ssyncadd.s32 $0xFFFFE000  }
.LBB3_1:
0x5a: {  	s0 =	sld [smem:$0x7E5];
	_ =	sdelay $0x1  }
0x5b: {  	[smem:$0x7E4] =	sst s2;
	s1 =	simm.s32 $0x4  }
0x5c: {  	[tilespmem:s14], [sflag:$0x4] =	stream.linear.gather [hbm4b:s0+s14], $0x1A200, $0x38;
	[tilespmem:$0x1F200] =	vst v63  }
0x5d: {  	_ =	swait.ge [sflag:s1], $0x1A200  }
0x5e: {  	s25 =	sld [smem:$0x7E7]  }
0x5f: {  	s26 =	simm.s32 $0x80;
	[sflag:s1] =	ssyncset.done $0x0  }
0x60: {  	s3 =	simm.s32 $0x400;
	s4 =	simm.s32 $0x1A200;
	[sflag:s1] =	ssyncadd.s32 $0xFFFE5E00  }
0x61: {  	[tilespmem:s4], [sflag:$0x4] =	stream.strided.gather [hbm4b:s25+s26], $0x1000, s3, s26, $0x38;
	[tilespmem:$0x1F200] =	vst v63  }
0x62: {  	_ =	swait.ge [sflag:s1], $0x1000  }
0x63: {  	s28 =	sld [smem:$0x7E8]  }
.Ltmp2:
0x64: {  	[sflag:s1] =	ssyncset.done $0x0;
	(pc) =	sbr.rel .LBB3_2-.Ltmp2, $4  }
0x65: {  	s29 =	simm.s32 $0x1B200;
	s30 =	sld [smem:$0x7EA];
	[sflag:s1] =	ssyncadd.s32 $0xFFFFF000  }
0x66: {  	[hbm4b:s28+s14] =	stream.linear.scatter [tilespmem:s29], [sflag:$0x2], $0x2000, $0x38;
	[tilespmem:$0x1F200] =	vst v63  }
0x67: {  	s31 =	simm.s32 $0x1D200;
	s3 =	simm.s32 $0x0  }
0x68: {  	[hbm4b:s30+s14] =	stream.linear.scatter [tilespmem:s31], [sflag:$0x3], $0x2000, $0x38;
	[tilespmem:$0x1F200] =	vst v63  }
.LBB3_43:
0x69: {  	s2 =	sld [smem:$0x7F0]  }
0x6a: {  	s0 =	sshll.u32 s0, $0x6  }
0x6b: {  	s1 =	sand.u32 $0x7F800, s0  }
0x6c: {  	s28 =	simm.s32 $0x1D200;
	s29 =	simm.s32 $0x1;
	s1 =	sadd.s32 s1, s2  }
0x6d: {  	[hbm4b:s1+s14] =	stream.linear.scatter [tilespmem:s28], [sflag:$0x3], $0x2000, $0x38;
	[tilespmem:$0x1F200] =	vst v63  }
0x6e: {  	_ =	swait.ge [sflag:s29], $0x2000  }
0x6f: {  	s30 =	sld [smem:$0x7EF];
	_ =	sdelay $0x1  }
0x70: {  	[sflag:s29] =	ssyncset.done $0x0  }
0x71: {  	s31 =	simm.s32 $0x1B200;
	[sflag:s29] =	ssyncadd.s32 $0xFFFFE000;
	s0 =	sadd.s32 s30, s0  }
0x72: {  	[hbm4b:s0+s14] =	stream.linear.scatter [tilespmem:s31], [sflag:$0x2], $0x2000, $0x38;
	[tilespmem:$0x1F200] =	vst v63  }
.LBB3_44:
0x73: {  	s3 =	sadd.s32 $0x1, s3  }
0x74: {  	p0 =	sne.s32 s3, $0x80  }
.Ltmp3:
0x75: {  	_ = 	snop;
	(pc) =	sbr.rel @!p0 .LBB3_45-.Ltmp3, $1  }
0x76: {  	_ =	sdelay $0x3  }
.LBB3_2:
0x77: {  	s0 =	simm.s32 $0x2  }
0x78: {  	_ =	swait.ge [sflag:s0], $0x2000  }
0x79: {  	[sflag:s0] =	ssyncset.done $0x0  }
0x7a: {  	s4 =	sshll.u32 s3, $0x5;
	[sflag:s0] =	ssyncadd.s32 $0xFFFFE000  }
0x7b: {  	v35 =	vld [tilespmem:s4+$0x1A200];
	_ =	sdelay $0x4  }
0x7c: {  	v36 =	vshll.u32 v35, $0x2  }
0x7d: {  	v35 =	vand.u32 $0x7, v35;
	v36 =	vand.u32 $0xFFFFFFE0, v36  }
0x7e: {  	v35 =	vor.u32 v35, v36  }
0x7f: {  	v36 =	vperm.xlane v35, v1;
	_ =	sdelay $0x1  }
0x80: {  	v36 =	vadd.s32 v2, v36;
	_ =	sdelay $0x1  }
0x81: {  	v35 =	vperm.xlane v35, v3  }
0x82: {  	s6 =	sld [smem:$0x7EC]  }
0x83: {  	s2 =	simm.s32 $0x0;
	s1 =	simm.s32 $0x1B200;
	s0 =	rddreg [dreg:$0x1];
	v35 =	vadd.s32 v2, v35  }
0x84: {  	[tilespmem:s1], [sflag:$0x1] =	stream.indirect_vreg.gather [hbm4b:s0+s2], $0x80, v36, vm0, $0xb8;
	[tilespmem:$0x1F200] =	vst v63  }
0x85: {  	s7 =	simm.s32 $0x1BA00  }
0x86: {  	[tilespmem:s7], [sflag:$0x1] =	stream.indirect_vreg.gather [hbm4b:s6+s2], $0x80, v36, vm0, $0xb8;
	[tilespmem:$0x1F200] =	vst v63  }
0x87: {  	s8 =	simm.s32 $0x1C200  }
0x88: {  	[tilespmem:s8], [sflag:$0x1] =	stream.indirect_vreg.gather [hbm4b:s0+s2], $0x80, v35, vm0, $0xb8;
	[tilespmem:$0x1F200] =	vst v63  }
0x89: {  	s9 =	simm.s32 $0x1CA00;
	s10 =	simm.s32 $0x3;
	[smem:$0x7E2] =	sst s3  }
0x8a: {  	[tilespmem:s9], [sflag:$0x1] =	stream.indirect_vreg.gather [hbm4b:s6+s2], $0x80, v35, vm0, $0xb8;
	[tilespmem:$0x1F200] =	vst v63  }
0x8b: {  	_ =	swait.ge [sflag:s10], $0x2000  }
0x8c: {  	[sflag:s10] =	ssyncset.done $0x0  }
0x8d: {  	[sflag:s10] =	ssyncadd.s32 $0xFFFFE000  }
0x8e: {  	v42 =	vld [tilespmem:s4+$0x1A210];
	_ =	sdelay $0x2  }
0x8f: {  	s0 =	simm.s32 $0x1  }
0x90: {  	v45 =	vmov s0  }
0x91: {  	v35 =	vperm.xlane v42, v45;
	_ =	sdelay $0x1  }
0x92: {  	v46 =	vmov s2;
	v43 =	vshll.u32 v35, $0x9  }
0x93: {  	v36 =	vperm.xlane v42, v46;
	v35 =	vor.u32 v0, v43;
	_ =	sdelay $0x1  }
0x94: {  	v39 =	vshll.u32 v36, $0x9  }
0x95: {  	v36 =	vor.u32 v0, v39  }
0x96: {  	[smem:$0x7E3] =	sst s4  }
0x97: {  	v35 =	vld.idx.msk [tilespmem:v35+s14+$0x0], $0xffff  }
0x98: {  	v37 =	vor.u32 v4, v43  }
0x99: {  	s11 =	simm.s32 $0x80;
	s12 =	sand.u32 $0x1000, s2  }
0x9a: {  	s3 =	sadd.s32 $0x1D200, s12;
	s1 =	sand.u32 $0x380, s11;
	v36 =	vld.idx.msk [tilespmem:v36+s14+$0x0], $0xffff  }
0x9b: {  	s5 =	sadd.s32 s1, s3;
	v47 =	vor.u32 v4, v39  }
0x9c: {  	s13 =	simm.s32 $0x0;
	[tilespmem:s5+$0x0] =	vst v35  }
0x9d: {  	s1 =	sand.u32 $0x300, s13;
	v37 =	vld.idx.msk [tilespmem:v37+s14+$0x0], $0xffff  }
0x9e: {  	s15 =	sadd.s32 s1, s3;
	v38 =	vor.u32 v5, v43  }
0x9f: {  	[tilespmem:s15+$0x0] =	vst v36  }
0xa0: {  	v35 =	vld.idx.msk [tilespmem:v47+s14+$0x0], $0xffff  }
0xa1: {  	v48 =	vor.u32 v5, v39  }
0xa2: {  	[tilespmem:s5+$0x10] =	vst v37  }
0xa3: {  	v37 =	vld.idx.msk [tilespmem:v38+s14+$0x0], $0xffff  }
0xa4: {  	v49 =	vor.u32 v6, v43  }
0xa5: {  	[tilespmem:s15+$0x10] =	vst v35  }
0xa6: {  	v35 =	vld.idx.msk [tilespmem:v48+s14+$0x0], $0xffff  }
0xa7: {  	v50 =	vor.u32 v6, v39  }
0xa8: {  	[tilespmem:s5+$0x20] =	vst v37  }
0xa9: {  	v37 =	vld.idx.msk [tilespmem:v49+s14+$0x0], $0xffff  }
0xaa: {  	v51 =	vor.u32 v7, v43  }
0xab: {  	[tilespmem:s15+$0x20] =	vst v35  }
0xac: {  	v35 =	vld.idx.msk [tilespmem:v50+s14+$0x0], $0xffff  }
0xad: {  	v52 =	vor.u32 v7, v39  }
0xae: {  	[tilespmem:s5+$0x30] =	vst v37  }
0xaf: {  	v37 =	vld.idx.msk [tilespmem:v51+s14+$0x0], $0xffff  }
0xb0: {  	v53 =	vor.u32 v8, v43  }
0xb1: {  	[tilespmem:s15+$0x30] =	vst v35  }
0xb2: {  	v35 =	vld.idx.msk [tilespmem:v52+s14+$0x0], $0xffff  }
0xb3: {  	v54 =	vor.u32 v8, v39  }
0xb4: {  	[tilespmem:s5+$0x40] =	vst v37  }
0xb5: {  	v37 =	vld.idx.msk [tilespmem:v53+s14+$0x0], $0xffff  }
0xb6: {  	v55 =	vor.u32 v9, v43  }
0xb7: {  	[tilespmem:s15+$0x40] =	vst v35  }
0xb8: {  	v35 =	vld.idx.msk [tilespmem:v54+s14+$0x0], $0xffff  }
0xb9: {  	v56 =	vor.u32 v9, v39  }
0xba: {  	[tilespmem:s5+$0x50] =	vst v37  }
0xbb: {  	v37 =	vld.idx.msk [tilespmem:v55+s14+$0x0], $0xffff  }
0xbc: {  	v57 =	vor.u32 v10, v43  }
0xbd: {  	[tilespmem:s15+$0x50] =	vst v35  }
0xbe: {  	v35 =	vld.idx.msk [tilespmem:v56+s14+$0x0], $0xffff  }
0xbf: {  	v58 =	vor.u32 v10, v39  }
0xc0: {  	[tilespmem:s5+$0x60] =	vst v37  }
0xc1: {  	v37 =	vld.idx.msk [tilespmem:v57+s14+$0x0], $0xffff  }
0xc2: {  	s16 =	simm.s32 $0x3;
	v59 =	vor.u32 v11, v43  }
0xc3: {  	v60 =	vmov s16;
	[tilespmem:s15+$0x60] =	vst v35  }
0xc4: {  	v35 =	vperm.xlane v42, v60;
	v36 =	vld.idx.msk [tilespmem:v58+s14+$0x0], $0xffff  }
0xc5: {  	s25 =	simm.s32 $0x2;
	v61 =	vor.u32 v11, v39  }
0xc6: {  	v40 =	vmov s25;
	v41 =	vshll.u32 v35, $0x9;
	[tilespmem:s5+$0x70] =	vst v37  }
0xc7: {  	v62 =	vperm.xlane v42, v40;
	v63 =	vor.u32 v0, v41;
	v38 =	vld.idx.msk [tilespmem:v59+s14+$0x0], $0xffff  }
0xc8: {  	v44 =	vor.u32 v12, v43  }
0xc9: {  	v35 =	vshll.u32 v62, $0x9;
	[tilespmem:s15+$0x70] =	vst v36  }
0xca: {  	v48 =	vor.u32 v0, v35;
	v37 =	vld.idx.msk [tilespmem:v61+s14+$0x0], $0xffff  }
0xcb: {  	v49 =	vor.u32 v12, v39  }
0xcc: {  	v40 =	vld.idx.msk [tilespmem:v63+s14+$0x0], $0xffff;
	[tilespmem:s5+$0x400] =	vst v38  }
0xcd: {  	s17 =	simm.s32 $0x400;
	v46 =	vor.u32 v4, v41;
	v44 =	vld.idx.msk [tilespmem:v44+s14+$0x0], $0xffff  }
0xce: {  	s18 =	simm.s32 $0x180;
	s1 =	sand.u32 $0x1000, s17;
	v45 =	vor.u32 v13, v43  }
0xcf: {  	s3 =	sand.u32 $0x380, s18;
	s1 =	sadd.s32 $0x1D200, s1;
	v36 =	vld.idx.msk [tilespmem:v48+s14+$0x0], $0xffff;
	[tilespmem:s15+$0x400] =	vst v37  }
0xd0: {  	s3 =	sadd.s32 s3, s1;
	v50 =	vor.u32 v4, v35;
	v37 =	vld.idx.msk [tilespmem:v49+s14+$0x0], $0xffff  }
0xd1: {  	s6 =	simm.s32 $0x100;
	v51 =	vor.u32 v13, v39;
	[tilespmem:s3+$0x0] =	vst v40  }
0xd2: {  	s6 =	sand.u32 $0x300, s6;
	v53 =	vld.idx.msk [tilespmem:v46+s14+$0x0], $0xffff;
	[tilespmem:s5+$0x410] =	vst v44  }
0xd3: {  	s1 =	sadd.s32 s6, s1;
	v47 =	vor.u32 v5, v41;
	v52 =	vld.idx.msk [tilespmem:v45+s14+$0x0], $0xffff  }
0xd4: {  	v54 =	vor.u32 v14, v43;
	[tilespmem:s1+$0x0] =	vst v36  }
0xd5: {  	v36 =	vld.idx.msk [tilespmem:v50+s14+$0x0], $0xffff;
	[tilespmem:s15+$0x410] =	vst v37  }
0xd6: {  	v55 =	vor.u32 v5, v35;
	v37 =	vld.idx.msk [tilespmem:v51+s14+$0x0], $0xffff  }
0xd7: {  	v56 =	vor.u32 v14, v39;
	[tilespmem:s3+$0x10] =	vst v53  }
0xd8: {  	v45 =	vld.idx.msk [tilespmem:v47+s14+$0x0], $0xffff;
	[tilespmem:s5+$0x420] =	vst v52  }
0xd9: {  	v59 =	vor.u32 v6, v41;
	v57 =	vld.idx.msk [tilespmem:v54+s14+$0x0], $0xffff  }
0xda: {  	v58 =	vor.u32 v15, v43;
	[tilespmem:s1+$0x10] =	vst v36  }
0xdb: {  	v36 =	vld.idx.msk [tilespmem:v55+s14+$0x0], $0xffff;
	[tilespmem:s15+$0x420] =	vst v37  }
0xdc: {  	v60 =	vor.u32 v6, v35;
	v37 =	vld.idx.msk [tilespmem:v56+s14+$0x0], $0xffff  }
0xdd: {  	v61 =	vor.u32 v15, v39;
	[tilespmem:s3+$0x20] =	vst v45  }
0xde: {  	v45 =	vld.idx.msk [tilespmem:v59+s14+$0x0], $0xffff;
	[tilespmem:s5+$0x430] =	vst v57  }
0xdf: {  	v63 =	vor.u32 v7, v41;
	v44 =	vld.idx.msk [tilespmem:v58+s14+$0x0], $0xffff  }
0xe0: {  	v62 =	vor.u32 v16, v43;
	[tilespmem:s1+$0x20] =	vst v36  }
0xe1: {  	v36 =	vld.idx.msk [tilespmem:v60+s14+$0x0], $0xffff;
	[tilespmem:s15+$0x430] =	vst v37  }
0xe2: {  	v48 =	vor.u32 v7, v35;
	v37 =	vld.idx.msk [tilespmem:v61+s14+$0x0], $0xffff  }
0xe3: {  	v49 =	vor.u32 v16, v39;
	[tilespmem:s3+$0x30] =	vst v45  }
0xe4: {  	v45 =	vld.idx.msk [tilespmem:v63+s14+$0x0], $0xffff;
	[tilespmem:s5+$0x440] =	vst v44  }
0xe5: {  	v51 =	vor.u32 v8, v41;
	v44 =	vld.idx.msk [tilespmem:v62+s14+$0x0], $0xffff  }
0xe6: {  	v50 =	vor.u32 v17, v43;
	[tilespmem:s1+$0x30] =	vst v36  }
0xe7: {  	v36 =	vld.idx.msk [tilespmem:v48+s14+$0x0], $0xffff;
	[tilespmem:s15+$0x440] =	vst v37  }
0xe8: {  	v52 =	vor.u32 v8, v35;
	v37 =	vld.idx.msk [tilespmem:v49+s14+$0x0], $0xffff  }
0xe9: {  	v53 =	vor.u32 v17, v39;
	[tilespmem:s3+$0x40] =	vst v45  }
0xea: {  	v45 =	vld.idx.msk [tilespmem:v51+s14+$0x0], $0xffff;
	[tilespmem:s5+$0x450] =	vst v44  }
0xeb: {  	v55 =	vor.u32 v9, v41;
	v44 =	vld.idx.msk [tilespmem:v50+s14+$0x0], $0xffff  }
0xec: {  	v54 =	vor.u32 v18, v43;
	[tilespmem:s1+$0x40] =	vst v36  }
0xed: {  	v36 =	vld.idx.msk [tilespmem:v52+s14+$0x0], $0xffff;
	[tilespmem:s15+$0x450] =	vst v37  }
0xee: {  	v56 =	vor.u32 v9, v35;
	v37 =	vld.idx.msk [tilespmem:v53+s14+$0x0], $0xffff  }
0xef: {  	v57 =	vor.u32 v18, v39;
	[tilespmem:s3+$0x50] =	vst v45  }
0xf0: {  	v45 =	vld.idx.msk [tilespmem:v55+s14+$0x0], $0xffff;
	[tilespmem:s5+$0x460] =	vst v44  }
0xf1: {  	v59 =	vor.u32 v10, v41;
	v44 =	vld.idx.msk [tilespmem:v54+s14+$0x0], $0xffff  }
0xf2: {  	v58 =	vor.u32 v19, v43;
	[tilespmem:s1+$0x50] =	vst v36  }
0xf3: {  	v36 =	vld.idx.msk [tilespmem:v56+s14+$0x0], $0xffff;
	[tilespmem:s15+$0x460] =	vst v37  }
0xf4: {  	v60 =	vor.u32 v10, v35;
	v37 =	vld.idx.msk [tilespmem:v57+s14+$0x0], $0xffff  }
0xf5: {  	v61 =	vor.u32 v19, v39;
	[tilespmem:s3+$0x60] =	vst v45  }
0xf6: {  	v45 =	vld.idx.msk [tilespmem:v59+s14+$0x0], $0xffff;
	[tilespmem:s5+$0x470] =	vst v44  }
0xf7: {  	s19 =	simm.s32 $0x5;
	v63 =	vor.u32 v11, v41;
	v44 =	vld.idx.msk [tilespmem:v58+s14+$0x0], $0xffff  }
0xf8: {  	v62 =	vor.u32 v20, v43;
	v50 =	vmov s19;
	[tilespmem:s1+$0x60] =	vst v36  }
0xf9: {  	v36 =	vperm.xlane v42, v50;
	v38 =	vld.idx.msk [tilespmem:v60+s14+$0x0], $0xffff;
	[tilespmem:s15+$0x470] =	vst v37  }
0xfa: {  	s7 =	simm.s32 $0x4;
	v48 =	vor.u32 v11, v35;
	v40 =	vld.idx.msk [tilespmem:v61+s14+$0x0], $0xffff  }
0xfb: {  	v51 =	vmov s7;
	v52 =	vor.u32 v20, v39;
	v37 =	vshll.u32 v36, $0x9;
	[tilespmem:s3+$0x70] =	vst v45  }
0xfc: {  	v54 =	vperm.xlane v42, v51;
	v55 =	vor.u32 v0, v37;
	v47 =	vld.idx.msk [tilespmem:v63+s14+$0x0], $0xffff;
	[tilespmem:s5+$0x800] =	vst v44  }
0xfd: {  	v50 =	vor.u32 v12, v41;
	v53 =	vld.idx.msk [tilespmem:v62+s14+$0x0], $0xffff  }
0xfe: {  	v49 =	vor.u32 v21, v43;
	v36 =	vshll.u32 v54, $0x9;
	[tilespmem:s1+$0x70] =	vst v38  }
0xff: {  	v46 =	vor.u32 v0, v36;
	v48 =	vld.idx.msk [tilespmem:v48+s14+$0x0], $0xffff;
	[tilespmem:s15+$0x800] =	vst v40  }
0x100: {  	v56 =	vor.u32 v12, v35;
	v40 =	vld.idx.msk [tilespmem:v52+s14+$0x0], $0xffff  }
0x101: {  	v57 =	vor.u32 v21, v39;
	v38 =	vld.idx.msk [tilespmem:v55+s14+$0x0], $0xffff;
	[tilespmem:s3+$0x400] =	vst v47  }
0x102: {  	s20 =	simm.s32 $0x800;
	v61 =	vor.u32 v4, v37;
	v59 =	vld.idx.msk [tilespmem:v50+s14+$0x0], $0xffff;
	[tilespmem:s5+$0x810] =	vst v53  }
0x103: {  	s21 =	simm.s32 $0x280;
	s6 =	sand.u32 $0x1000, s20;
	v51 =	vor.u32 v13, v41;
	v58 =	vld.idx.msk [tilespmem:v49+s14+$0x0], $0xffff  }
0x104: {  	s6 =	sadd.s32 $0x1D200, s6;
	s7 =	sand.u32 $0x380, s21;
	v60 =	vor.u32 v22, v43;
	v46 =	vld.idx.msk [tilespmem:v46+s14+$0x0], $0xffff;
	[tilespmem:s1+$0x400] =	vst v48  }
0x105: {  	s13 =	sadd.s32 s7, s6;
	v62 =	vld.idx.msk [tilespmem:v56+s14+$0x0], $0xffff;
	[tilespmem:s15+$0x810] =	vst v40  }
0x106: {  	s8 =	simm.s32 $0x200;
	v63 =	vor.u32 v4, v36;
	[tilespmem:s13+$0x0] =	vst v38;
	v45 =	vld.idx.msk [tilespmem:v57+s14+$0x0], $0xffff  }
0x107: {  	s8 =	sand.u32 $0x300, s8;
	v52 =	vor.u32 v13, v35;
	[tilespmem:s3+$0x410] =	vst v59;
	v59 =	vld.idx.msk [tilespmem:v61+s14+$0x0], $0xffff  }
0x108: {  	s31 =	sadd.s32 s8, s6;
	v56 =	vor.u32 v22, v39;
	v57 =	vld.idx.msk [tilespmem:v51+s14+$0x0], $0xffff;
	[tilespmem:s5+$0x820] =	vst v58  }
0x109: {  	[tilespmem:s31+$0x0] =	vst v46;
	v61 =	vor.u32 v5, v37;
	v49 =	vld.idx.msk [tilespmem:v60+s14+$0x0], $0xffff  }
0x10a: {  	[tilespmem:s1+$0x410] =	vst v62;
	v58 =	vor.u32 v23, v43  }
0x10b: {  	v44 =	vld.idx.msk [tilespmem:v63+s14+$0x0], $0xffff;
	[tilespmem:s15+$0x820] =	vst v45;
	v60 =	vor.u32 v14, v41  }
0x10c: {  	v63 =	vor.u32 v5, v36;
	v62 =	vld.idx.msk [tilespmem:v52+s14+$0x0], $0xffff;
	[tilespmem:s13+$0x10] =	vst v59  }
0x10d: {  	v47 =	vld.idx.msk [tilespmem:v56+s14+$0x0], $0xffff;
	v56 =	vor.u32 v14, v35;
	[tilespmem:s3+$0x420] =	vst v57  }
0x10e: {  	v57 =	vor.u32 v23, v39;
	v40 =	vld.idx.msk [tilespmem:v61+s14+$0x0], $0xffff;
	[tilespmem:s5+$0x830] =	vst v49  }
0x10f: {  	v61 =	vor.u32 v6, v37;
	v49 =	vld.idx.msk [tilespmem:v58+s14+$0x0], $0xffff  }
0x110: {  	[tilespmem:s31+$0x10] =	vst v44;
	v59 =	vor.u32 v24, v43;
	v58 =	vld.idx.msk [tilespmem:v60+s14+$0x0], $0xffff  }
0x111: {  	v45 =	vld.idx.msk [tilespmem:v63+s14+$0x0], $0xffff;
	[tilespmem:s1+$0x420] =	vst v62;
	v60 =	vor.u32 v15, v41  }
0x112: {  	v51 =	vld.idx.msk [tilespmem:v56+s14+$0x0], $0xffff;
	[tilespmem:s15+$0x830] =	vst v47  }
0x113: {  	v62 =	vor.u32 v6, v36;
	[tilespmem:s13+$0x20] =	vst v40;
	v38 =	vld.idx.msk [tilespmem:v57+s14+$0x0], $0xffff  }
0x114: {  	v63 =	vor.u32 v15, v35;
	v57 =	vld.idx.msk [tilespmem:v61+s14+$0x0], $0xffff;
	[tilespmem:s5+$0x840] =	vst v49  }
0x115: {  	v46 =	vor.u32 v24, v39;
	[tilespmem:s3+$0x430] =	vst v58;
	v48 =	vld.idx.msk [tilespmem:v59+s14+$0x0], $0xffff  }
0x116: {  	[tilespmem:s31+$0x20] =	vst v45;
	v61 =	vor.u32 v7, v37;
	v56 =	vld.idx.msk [tilespmem:v60+s14+$0x0], $0xffff  }
0x117: {  	s22 =	simm.s32 $0x6;
	[tilespmem:s1+$0x430] =	vst v51;
	v58 =	vor.u32 v25, v43  }
0x118: {  	v47 =	vld.idx.msk [tilespmem:v62+s14+$0x0], $0xffff;
	[tilespmem:s15+$0x840] =	vst v38;
	v59 =	vor.u32 v16, v41;
	v60 =	vmov s22  }
0x119: {  	v52 =	vld.idx.msk [tilespmem:v63+s14+$0x0], $0xffff;
	v63 =	vor.u32 v7, v36;
	[tilespmem:s13+$0x30] =	vst v57;
	v62 =	vperm.xlane v42, v60  }
0x11a: {  	v53 =	vor.u32 v16, v35;
	v46 =	vld.idx.msk [tilespmem:v46+s14+$0x0], $0xffff;
	[tilespmem:s5+$0x850] =	vst v48  }
0x11b: {  	v60 =	vld.idx.msk [tilespmem:v61+s14+$0x0], $0xffff;
	v38 =	vshll.u32 v62, $0x9;
	[tilespmem:s3+$0x440] =	vst v56;
	v56 =	vor.u32 v25, v39  }
0x11c: {  	v48 =	vld.idx.msk [tilespmem:v58+s14+$0x0], $0xffff;
	v58 =	vor.u32 v0, v38  }
0x11d: {  	[tilespmem:s31+$0x30] =	vst v47;
	v61 =	vor.u32 v26, v43;
	v59 =	vld.idx.msk [tilespmem:v59+s14+$0x0], $0xffff  }
0x11e: {  	v62 =	vor.u32 v17, v41;
	v50 =	vld.idx.msk [tilespmem:v63+s14+$0x0], $0xffff;
	[tilespmem:s1+$0x440] =	vst v52  }
0x11f: {  	v63 =	vor.u32 v8, v37;
	v53 =	vld.idx.msk [tilespmem:v53+s14+$0x0], $0xffff;
	[tilespmem:s15+$0x850] =	vst v46  }
0x120: {  	v57 =	vor.u32 v8, v36;
	v40 =	vld.idx.msk [tilespmem:v56+s14+$0x0], $0xffff  }
0x121: {  	v54 =	vor.u32 v17, v35;
	v44 =	vld.idx.msk [tilespmem:v58+s14+$0x0], $0xffff;
	[tilespmem:s5+$0x860] =	vst v48  }
0x122: {  	[tilespmem:s3+$0x450] =	vst v59;
	v58 =	vor.u32 v26, v39;
	v48 =	vld.idx.msk [tilespmem:v61+s14+$0x0], $0xffff  }
0x123: {  	[tilespmem:s13+$0x40] =	vst v60;
	v60 =	vor.u32 v27, v43;
	v59 =	vld.idx.msk [tilespmem:v62+s14+$0x0], $0xffff  }
0x124: {  	[tilespmem:s31+$0x40] =	vst v50;
	v61 =	vld.idx.msk [tilespmem:v63+s14+$0x0], $0xffff;
	v62 =	vor.u32 v18, v41  }
0x125: {  	v46 =	vld.idx.msk [tilespmem:v57+s14+$0x0], $0xffff;
	[tilespmem:s1+$0x450] =	vst v53;
	v63 =	vor.u32 v9, v37  }
0x126: {  	v57 =	vor.u32 v9, v36;
	v53 =	vld.idx.msk [tilespmem:v54+s14+$0x0], $0xffff;
	[tilespmem:s15+$0x860] =	vst v40  }
0x127: {  	v45 =	vld.idx.msk [tilespmem:v58+s14+$0x0], $0xffff;
	v58 =	vor.u32 v18, v35;
	[tilespmem:s5+$0x870] =	vst v48  }
0x128: {  	[tilespmem:s3+$0x460] =	vst v59;
	v59 =	vor.u32 v27, v39;
	v48 =	vld.idx.msk [tilespmem:v60+s14+$0x0], $0xffff  }
0x129: {  	s23 =	sand.u32 $0x7, s2;
	[tilespmem:s13+$0x50] =	vst v61;
	v61 =	vor.u32 v28, v43;
	v60 =	vld.idx.msk [tilespmem:v62+s14+$0x0], $0xffff  }
0x12a: {  	[tilespmem:s31+$0x50] =	vst v46;
	s5 =	sshll.u32 s23, $0x7;
	v62 =	vld.idx.msk [tilespmem:v63+s14+$0x0], $0xffff;
	v63 =	vor.u32 v19, v41  }
0x12b: {  	v40 =	vld.idx.msk [tilespmem:v57+s14+$0x0], $0xffff;
	[tilespmem:s1+$0x460] =	vst v53;
	v57 =	vor.u32 v10, v37;
	s24 =	sadd.s32 $0x80, s5  }
0x12c: {  	s26 =	sor.u32 $0xC00, s24;
	v53 =	vld.idx.msk [tilespmem:v58+s14+$0x0], $0xffff;
	[tilespmem:s15+$0x870] =	vst v45;
	v58 =	vor.u32 v10, v36  }
0x12d: {  	v47 =	vld.idx.msk [tilespmem:v59+s14+$0x0], $0xffff;
	v59 =	vor.u32 v19, v35;
	[tilespmem:s26+$0x1D200] =	vst v48  }
0x12e: {  	s2 =	sand.u32 $0x3, s2;
	[tilespmem:s3+$0x470] =	vst v60;
	v60 =	vor.u32 v28, v39;
	v49 =	vld.idx.msk [tilespmem:v61+s14+$0x0], $0xffff  }
0x12f: {  	s2 =	sshll.u32 s2, $0x8;
	[tilespmem:s13+$0x60] =	vst v62;
	v62 =	vor.u32 v29, v43;
	v61 =	vld.idx.msk [tilespmem:v63+s14+$0x0], $0xffff  }
0x130: {  	s5 =	sadd.s32 $0x0, s2;
	[tilespmem:s31+$0x60] =	vst v40;
	v63 =	vld.idx.msk [tilespmem:v57+s14+$0x0], $0xffff;
	v57 =	vor.u32 v20, v41  }
0x131: {  	s2 =	sor.u32 $0xC00, s5;
	v45 =	vld.idx.msk [tilespmem:v58+s14+$0x0], $0xffff;
	[tilespmem:s1+$0x470] =	vst v53;
	v58 =	vor.u32 v11, v37  }
0x132: {  	s4 =	sor.u32 $0xC10, s24;
	v53 =	vld.idx.msk [tilespmem:v59+s14+$0x0], $0xffff;
	[tilespmem:s2+$0x1D200] =	vst v47;
	v59 =	vor.u32 v11, v36  }
0x133: {  	s7 =	simm.s32 $0x7;
	v48 =	vld.idx.msk [tilespmem:v60+s14+$0x0], $0xffff;
	v60 =	vor.u32 v20, v35;
	[tilespmem:s4+$0x1D200] =	vst v49  }
0x134: {  	v46 =	vor.u32 v29, v39;
	[tilespmem:s3+$0x800] =	vst v61;
	v61 =	vmov s7;
	v49 =	vld.idx.msk [tilespmem:v62+s14+$0x0], $0xffff  }
0x135: {  	[tilespmem:s13+$0x70] =	vst v63;
	v63 =	vor.u32 v30, v43;
	v51 =	vld.idx.msk [tilespmem:v57+s14+$0x0], $0xffff;
	v62 =	vperm.xlane v42, v61  }
0x136: {  	[tilespmem:s31+$0x70] =	vst v45;
	v57 =	vld.idx.msk [tilespmem:v58+s14+$0x0], $0xffff;
	v58 =	vor.u32 v21, v41  }
0x137: {  	s8 =	sor.u32 $0xC10, s5;
	v47 =	vld.idx.msk [tilespmem:v59+s14+$0x0], $0xffff;
	[tilespmem:s1+$0x800] =	vst v53;
	v40 =	vshll.u32 v62, $0x9;
	v59 =	vor.u32 v12, v37  }
0x138: {  	s29 =	simm.s32 $0xC00;
	s9 =	sor.u32 $0xC20, s24;
	v54 =	vld.idx.msk [tilespmem:v60+s14+$0x0], $0xffff;
	[tilespmem:s8+$0x1D200] =	vst v48;
	v60 =	vor.u32 v0, v40  }
0x139: {  	s12 =	sand.u32 $0x1000, s29;
	s19 =	simm.s32 $0x380;
	v55 =	vor.u32 v12, v36;
	s15 =	simm.s32 $0x300;
	v46 =	vld.idx.msk [tilespmem:v46+s14+$0x0], $0xffff;
	[tilespmem:s9+$0x1D200] =	vst v49  }
0x13a: {  	s16 =	sand.u32 $0x380, s19;
	s17 =	sand.u32 $0x300, s15;
	s4 =	sadd.s32 $0x1D200, s12;
	v61 =	vor.u32 v21, v35;
	[tilespmem:s3+$0x810] =	vst v51;
	v50 =	vld.idx.msk [tilespmem:v63+s14+$0x0], $0xffff  }
0x13b: {  	s2 =	sadd.s32 s16, s4;
	s16 =	sadd.s32 s17, s4;
	v62 =	vor.u32 v30, v39;
	[tilespmem:s13+$0x400] =	vst v57;
	v45 =	vld.idx.msk [tilespmem:v58+s14+$0x0], $0xffff  }
0x13c: {  	[tilespmem:s16+$0x0] =	vst v44;
	v57 =	vor.u32 v31, v43;
	v63 =	vld.idx.msk [tilespmem:v59+s14+$0x0], $0xffff  }
0x13d: {  	v58 =	vor.u32 v22, v41;
	[tilespmem:s31+$0x400] =	vst v47;
	v48 =	vld.idx.msk [tilespmem:v60+s14+$0x0], $0xffff  }
0x13e: {  	s10 =	sor.u32 $0xC20, s5;
	v59 =	vor.u32 v13, v37;
	[tilespmem:s1+$0x810] =	vst v54;
	v54 =	vld.idx.msk [tilespmem:v55+s14+$0x0], $0xffff  }
0x13f: {  	s11 =	sor.u32 $0xC30, s24;
	v60 =	vor.u32 v4, v40;
	[tilespmem:s10+$0x1D200] =	vst v46;
	v49 =	vld.idx.msk [tilespmem:v61+s14+$0x0], $0xffff  }
0x140: {  	v61 =	vor.u32 v4, v38;
	v51 =	vld.idx.msk [tilespmem:v62+s14+$0x0], $0xffff;
	[tilespmem:s11+$0x1D200] =	vst v50  }
0x141: {  	v62 =	vor.u32 v13, v36;
	[tilespmem:s3+$0x820] =	vst v45;
	v52 =	vld.idx.msk [tilespmem:v57+s14+$0x0], $0xffff  }
0x142: {  	[tilespmem:s13+$0x410] =	vst v63;
	v63 =	vor.u32 v22, v35;
	v53 =	vld.idx.msk [tilespmem:v58+s14+$0x0], $0xffff  }
0x143: {  	v57 =	vor.u32 v32, v43;
	[tilespmem:s2+$0x0] =	vst v48;
	v48 =	vld.idx.msk [tilespmem:v59+s14+$0x0], $0xffff  }
0x144: {  	v59 =	vor.u32 v23, v41;
	[tilespmem:s31+$0x410] =	vst v54;
	v58 =	vld.idx.msk [tilespmem:v60+s14+$0x0], $0xffff  }
0x145: {  	s18 =	sor.u32 $0xC40, s24;
	v50 =	vld.idx.msk [tilespmem:v61+s14+$0x0], $0xffff;
	v60 =	vor.u32 v14, v37;
	[tilespmem:s1+$0x820] =	vst v49  }
0x146: {  	v61 =	vor.u32 v5, v40;
	v45 =	vld.idx.msk [tilespmem:v62+s14+$0x0], $0xffff;
	[tilespmem:s18+$0x1D200] =	vst v52  }
0x147: {  	v62 =	vor.u32 v5, v38;
	v47 =	vld.idx.msk [tilespmem:v63+s14+$0x0], $0xffff;
	[tilespmem:s3+$0x830] =	vst v53  }
0x148: {  	v63 =	vor.u32 v14, v36;
	v55 =	vld.idx.msk [tilespmem:v57+s14+$0x0], $0xffff;
	[tilespmem:s13+$0x420] =	vst v48  }
0x149: {  	v57 =	vor.u32 v23, v35;
	v46 =	vld.idx.msk [tilespmem:v59+s14+$0x0], $0xffff;
	[tilespmem:s2+$0x10] =	vst v58  }
0x14a: {  	v44 =	vld.idx.msk [tilespmem:v60+s14+$0x0], $0xffff;
	v58 =	vor.u32 v33, v43;
	[tilespmem:s16+$0x10] =	vst v50  }
0x14b: {  	v59 =	vor.u32 v24, v41;
	v49 =	vld.idx.msk [tilespmem:v61+s14+$0x0], $0xffff;
	[tilespmem:s31+$0x420] =	vst v45  }
0x14c: {  	s20 =	sor.u32 $0xC50, s24;
	v60 =	vld.idx.msk [tilespmem:v62+s14+$0x0], $0xffff;
	v61 =	vor.u32 v15, v37;
	[tilespmem:s1+$0x830] =	vst v47  }
0x14d: {  	v62 =	vor.u32 v6, v40;
	v53 =	vld.idx.msk [tilespmem:v63+s14+$0x0], $0xffff;
	[tilespmem:s20+$0x1D200] =	vst v55  }
0x14e: {  	v63 =	vor.u32 v6, v38;
	v48 =	vld.idx.msk [tilespmem:v57+s14+$0x0], $0xffff;
	[tilespmem:s3+$0x840] =	vst v46  }
0x14f: {  	v57 =	vor.u32 v15, v36;
	v54 =	vld.idx.msk [tilespmem:v58+s14+$0x0], $0xffff;
	[tilespmem:s13+$0x430] =	vst v44  }
0x150: {  	v58 =	vor.u32 v24, v35;
	v50 =	vld.idx.msk [tilespmem:v59+s14+$0x0], $0xffff;
	[tilespmem:s2+$0x20] =	vst v49  }
0x151: {  	v43 =	vor.u32 v34, v43;
	v59 =	vld.idx.msk [tilespmem:v61+s14+$0x0], $0xffff;
	[tilespmem:s16+$0x20] =	vst v60  }
0x152: {  	v47 =	vor.u32 v25, v41;
	v45 =	vld.idx.msk [tilespmem:v62+s14+$0x0], $0xffff;
	[tilespmem:s31+$0x430] =	vst v53  }
0x153: {  	s21 =	simm.s32 $0x8;
	s22 =	sor.u32 $0xC60, s24;
	v52 =	vld.idx.msk [tilespmem:v63+s14+$0x0], $0xffff;
	v53 =	vor.u32 v16, v37;
	[tilespmem:s1+$0x840] =	vst v48  }
0x154: {  	v60 =	vmov s21;
	v61 =	vor.u32 v7, v40;
	v46 =	vld.idx.msk [tilespmem:v57+s14+$0x0], $0xffff;
	[tilespmem:s22+$0x1D200] =	vst v54  }
0x155: {  	v62 =	vor.u32 v7, v38;
	v48 =	vperm.xlane v42, v60;
	v44 =	vld.idx.msk [tilespmem:v58+s14+$0x0], $0xffff;
	[tilespmem:s3+$0x850] =	vst v50  }
0x156: {  	v63 =	vor.u32 v25, v35;
	v50 =	vld.idx.msk [tilespmem:v43+s14+$0x0], $0xffff;
	[tilespmem:s13+$0x440] =	vst v59  }
0x157: {  	v56 =	vor.u32 v16, v36;
	v43 =	vshll.u32 v48, $0x9;
	v47 =	vld.idx.msk [tilespmem:v47+s14+$0x0], $0xffff;
	[tilespmem:s2+$0x30] =	vst v45  }
0x158: {  	v45 =	vor.u32 v0, v43;
	v48 =	vld.idx.msk [tilespmem:v53+s14+$0x0], $0xffff;
	[tilespmem:s16+$0x30] =	vst v52  }
0x159: {  	v60 =	vor.u32 v26, v41;
	v52 =	vld.idx.msk [tilespmem:v61+s14+$0x0], $0xffff;
	[tilespmem:s31+$0x440] =	vst v46  }
0x15a: {  	s23 =	sor.u32 $0xC70, s24;
	s24 =	sor.u32 $0xC30, s5;
	v61 =	vor.u32 v17, v37;
	v46 =	vld.idx.msk [tilespmem:v62+s14+$0x0], $0xffff;
	[tilespmem:s1+$0x850] =	vst v44  }
0x15b: {  	[tilespmem:s24+$0x1D200] =	vst v51;
	v62 =	vor.u32 v8, v40;
	v49 =	vld.idx.msk [tilespmem:v63+s14+$0x0], $0xffff  }
0x15c: {  	[tilespmem:s23+$0x1D200] =	vst v50;
	v63 =	vld.idx.msk [tilespmem:v56+s14+$0x0], $0xffff;
	v56 =	vor.u32 v8, v38  }
0x15d: {  	[tilespmem:s3+$0x860] =	vst v47;
	v47 =	vor.u32 v26, v35;
	v44 =	vld.idx.msk [tilespmem:v45+s14+$0x0], $0xffff  }
0x15e: {  	v45 =	vor.u32 v17, v36;
	[tilespmem:s13+$0x450] =	vst v48;
	v48 =	vld.idx.msk [tilespmem:v60+s14+$0x0], $0xffff  }
0x15f: {  	[tilespmem:s2+$0x40] =	vst v52;
	v52 =	vld.idx.msk [tilespmem:v61+s14+$0x0], $0xffff  }
0x160: {  	v60 =	vor.u32 v31, v39;
	[tilespmem:s16+$0x40] =	vst v46;
	v61 =	vld.idx.msk [tilespmem:v62+s14+$0x0], $0xffff  }
0x161: {  	v62 =	vor.u32 v27, v41;
	[tilespmem:s1+$0x860] =	vst v49;
	v57 =	vld.idx.msk [tilespmem:v56+s14+$0x0], $0xffff  }
0x162: {  	[tilespmem:s31+$0x450] =	vst v63;
	v63 =	vor.u32 v18, v37;
	v47 =	vld.idx.msk [tilespmem:v47+s14+$0x0], $0xffff  }
0x163: {  	v58 =	vor.u32 v27, v35;
	v45 =	vld.idx.msk [tilespmem:v45+s14+$0x0], $0xffff;
	[tilespmem:s3+$0x870] =	vst v48  }
0x164: {  	v59 =	vor.u32 v9, v40;
	[tilespmem:s13+$0x460] =	vst v52  }
0x165: {  	s0 =	sand.u32 $0x3, s0;
	v53 =	vld.idx.msk [tilespmem:v60+s14+$0x0], $0xffff;
	[tilespmem:s2+$0x50] =	vst v61  }
0x166: {  	s0 =	sshll.u32 s0, $0x8;
	v48 =	vor.u32 v9, v38;
	v54 =	vld.idx.msk [tilespmem:v62+s14+$0x0], $0xffff;
	[tilespmem:s16+$0x50] =	vst v57  }
0x167: {  	s9 =	sadd.s32 $0x400, s0;
	v61 =	vld.idx.msk [tilespmem:v63+s14+$0x0], $0xffff;
	[tilespmem:s1+$0x870] =	vst v47  }
0x168: {  	s15 =	sor.u32 $0xC30, s9;
	s11 =	sand.u32 $0x7, s25;
	[tilespmem:s31+$0x460] =	vst v45;
	v57 =	vld.idx.msk [tilespmem:v58+s14+$0x0], $0xffff  }
0x169: {  	s26 =	sor.u32 $0xC40, s5;
	s0 =	sshll.u32 s11, $0x7;
	v60 =	vor.u32 v18, v36;
	v58 =	vld.idx.msk [tilespmem:v59+s14+$0x0], $0xffff;
	[dreg:$0x17] =	wrdreg s15  }
0x16a: {  	s12 =	simm.s32 $0x2;
	s17 =	sor.u32 $0xC40, s9;
	s6 =	sadd.s32 $0x480, s0;
	v62 =	vor.u32 v32, v39;
	[tilespmem:s26+$0x1D200] =	vst v53  }
0x16b: {  	s18 =	sor.u32 $0xC50, s9;
	s1 =	sand.u32 $0x3, s12;
	v48 =	vld.idx.msk [tilespmem:v48+s14+$0x0], $0xffff;
	[dreg:$0x15] =	wrdreg s17  }
0x16c: {  	s11 =	sor.u32 $0xC00, s6;
	s1 =	sshll.u32 s1, $0x8;
	[dreg:$0x13] =	wrdreg s18  }
0x16d: {  	v63 =	vor.u32 v28, v41;
	s20 =	sadd.s32 $0x800, s1;
	[tilespmem:s11+$0x1D200] =	vst v54  }
0x16e: {  	v59 =	vor.u32 v19, v37;
	s24 =	sor.u32 $0xC00, s20;
	v53 =	vld.idx.msk [tilespmem:v60+s14+$0x0], $0xffff;
	[tilespmem:s13+$0x470] =	vst v61  }
0x16f: {  	v55 =	vor.u32 v10, v40;
	s26 =	sor.u32 $0xC10, s20;
	v49 =	vld.idx.msk [tilespmem:v62+s14+$0x0], $0xffff;
	[dreg:$0x14] =	wrdreg s24  }
0x170: {  	s10 =	sor.u32 $0xC00, s9;
	[dreg:$0x10] =	wrdreg s26  }
0x171: {  	s7 =	sor.u32 $0xC50, s5;
	s4 =	sor.u32 $0xC60, s5;
	s30 =	sor.u32 $0xC60, s9;
	v52 =	vor.u32 v10, v38;
	[tilespmem:s10+$0x1D200] =	vst v57  }
0x172: {  	s28 =	sor.u32 $0xC70, s9;
	s21 =	simm.s32 $0x3;
	s22 =	sor.u32 $0xC70, s5;
	v60 =	vor.u32 v19, v36;
	v47 =	vld.idx.msk [tilespmem:v63+s14+$0x0], $0xffff;
	[tilespmem:s2+$0x60] =	vst v58  }
0x173: {  	s5 =	sor.u32 $0xC10, s9;
	s1 =	sand.u32 $0x3, s21;
	s8 =	sor.u32 $0xC70, s20;
	v62 =	vld.idx.msk [tilespmem:v59+s14+$0x0], $0xffff;
	[tilespmem:s16+$0x60] =	vst v48  }
0x174: {  	s3 =	sor.u32 $0xC20, s9;
	s9 =	sshll.u32 s1, $0x8;
	v51 =	vld.idx.msk [tilespmem:v55+s14+$0x0], $0xffff;
	[dreg:$0xe] =	wrdreg s8  }
0x175: {  	v61 =	vor.u32 v28, v35;
	s9 =	sadd.s32 $0xC00, s9;
	[tilespmem:s31+$0x470] =	vst v53  }
0x176: {  	s23 =	sor.u32 $0xC20, s20;
	s12 =	sor.u32 $0xC00, s9;
	v52 =	vld.idx.msk [tilespmem:v52+s14+$0x0], $0xffff;
	[tilespmem:s7+$0x1D200] =	vst v49  }
0x177: {  	s18 =	sor.u32 $0xC40, s20;
	s15 =	sor.u32 $0xC10, s9;
	v63 =	vor.u32 v33, v39;
	v45 =	vld.idx.msk [tilespmem:v60+s14+$0x0], $0xffff;
	[dreg:$0x12] =	wrdreg s12  }
0x178: {  	s17 =	sor.u32 $0xC10, s6;
	s11 =	sor.u32 $0xC50, s20;
	v57 =	vor.u32 v29, v41;
	[dreg:$0x16] =	wrdreg s15  }
0x179: {  	s26 =	sor.u32 $0xC30, s20;
	s10 =	sor.u32 $0xC60, s20;
	s20 =	sor.u32 $0xC20, s9;
	[tilespmem:s17+$0x1D200] =	vst v47  }
0x17a: {  	s24 =	sor.u32 $0xC30, s9;
	v49 =	vld.idx.msk [tilespmem:v61+s14+$0x0], $0xffff;
	[dreg:$0x11] =	wrdreg s20  }
0x17b: {  	s8 =	simm.s32 $0x9;
	[dreg:$0xf] =	wrdreg s24  }
0x17c: {  	v50 =	vor.u32 v29, v35;
	v46 =	vor.u32 v20, v36;
	v55 =	vor.u32 v11, v38;
	s7 =	simm.s32 $0xA;
	s12 =	sor.u32 $0xC50, s9;
	s15 =	simm.s32 $0x480;
	v48 =	vld.idx.msk [tilespmem:v63+s14+$0x0], $0xffff  }
0x17d: {  	v54 =	vor.u32 v11, v40;
	s17 =	sor.u32 $0xC60, s9;
	v47 =	vor.u32 v20, v37;
	s20 =	sor.u32 $0xC40, s9;
	s24 =	sor.u32 $0xC70, s9;
	[tilespmem:s13+$0x800] =	vst v62;
	v53 =	vld.idx.msk [tilespmem:v57+s14+$0x0], $0xffff  }
.LBB3_3:
0x17e: {  	_ =	sdelay $0x1  }
0x17f: {  	[tilespmem:s16+$0x70] =	vst v52  }
0x180: {  	v55 =	vld.idx.msk [tilespmem:v55+s14+$0x0], $0xffff;
	[tilespmem:s31+$0x800] =	vst v45  }
0x181: {  	[tilespmem:s2+$0x70] =	vst v51;
	v51 =	vor.u32 v34, v39;
	v46 =	vld.idx.msk [tilespmem:v46+s14+$0x0], $0xffff  }
0x182: {  	s0 =	rddreg [dreg:$0x10];
	v39 =	vmov v35;
	v35 =	vmov v36;
	v36 =	vmov v38;
	v47 =	vld.idx.msk [tilespmem:v47+s14+$0x0], $0xffff  }
0x183: {  	v56 =	vmov s8;
	s1 =	smov.u32 s0;
	v60 =	vld.idx.msk [tilespmem:v54+s14+$0x0], $0xffff;
	[tilespmem:s5+$0x1D200] =	vst v49;
	v59 =	vor.u32 v12, v36  }
0x184: {  	v61 =	vor.u32 v30, v41;
	v56 =	vperm.xlane v42, v56;
	[dreg:$0x19] =	wrdreg s1;
	s1 =	sor.u32 $0xC20, s6;
	v50 =	vld.idx.msk [tilespmem:v50+s14+$0x0], $0xffff;
	[tilespmem:s4+$0x1D200] =	vst v48  }
0x185: {  	v62 =	vor.u32 v21, v37;
	[tilespmem:s1+$0x1D200] =	vst v53  }
0x186: {  	v63 =	vor.u32 v12, v40;
	v38 =	vmov v43;
	v43 =	vshll.u32 v56, $0x9;
	v51 =	vld.idx.msk [tilespmem:v51+s14+$0x0], $0xffff;
	[tilespmem:s16+$0x400] =	vst v55  }
0x187: {  	v58 =	vor.u32 v0, v43;
	[tilespmem:s31+$0x810] =	vst v46  }
0x188: {  	v53 =	vor.u32 v21, v35;
	[tilespmem:s13+$0x810] =	vst v47;
	v48 =	vld.idx.msk [tilespmem:v59+s14+$0x0], $0xffff  }
0x189: {  	s8 =	rddreg [dreg:$0x16];
	v47 =	vld.idx.msk [tilespmem:v61+s14+$0x0], $0xffff;
	[tilespmem:s2+$0x400] =	vst v60  }
0x18a: {  	s21 =	sadd.s32 $0x1, s21;
	s29 =	sadd.s32 $0x400, s29;
	s9 =	smov.u32 s8;
	v45 =	vor.u32 v30, v39;
	v52 =	vld.idx.msk [tilespmem:v62+s14+$0x0], $0xffff  }
0x18b: {  	s19 =	sadd.s32 $0x100, s19;
	s8 =	smov.u32 s17;
	[dreg:$0x10] =	wrdreg s9;
	v61 =	vor.u32 v31, v41;
	v60 =	vld.idx.msk [tilespmem:v63+s14+$0x0], $0xffff  }
0x18c: {  	s0 =	sadd.s32 $0xFFFFFF80, s19;
	[dreg:$0x1b] =	wrdreg s8;
	s9 =	sand.u32 $0x3, s21;
	[tilespmem:s3+$0x1D200] =	vst v50;
	v49 =	vld.idx.msk [tilespmem:v58+s14+$0x0], $0xffff;
	v62 =	vor.u32 v22, v37  }
0x18d: {  	s5 =	smov.u32 s10;
	s8 =	sshll.u32 s9, $0x8;
	s9 =	sor.u32 $0xC30, s6;
	v59 =	vor.u32 v4, v38;
	v53 =	vld.idx.msk [tilespmem:v53+s14+$0x0], $0xffff;
	[tilespmem:s22+$0x1D200] =	vst v51  }
0x18e: {  	s10 =	smov.u32 s23;
	s23 =	sand.u32 $0x1000, s29;
	s4 =	smov.u32 s30;
	v63 =	vor.u32 v13, v40;
	[tilespmem:s9+$0x1D200] =	vst v47  }
0x18f: {  	s1 =	smov.u32 s11;
	s3 =	sadd.s32 $0x1D200, s23;
	v58 =	vor.u32 v4, v43;
	v45 =	vld.idx.msk [tilespmem:v45+s14+$0x0], $0xffff;
	s9 =	sand.u32 $0x300, s0;
	[tilespmem:s13+$0x820] =	vst v52  }
0x190: {  	[dreg:$0x18] =	wrdreg s4;
	s4 =	sand.u32 $0x380, s19;
	v47 =	vor.u32 v13, v36;
	s11 =	sadd.s32 s9, s3;
	v52 =	vld.idx.msk [tilespmem:v61+s14+$0x0], $0xffff;
	[tilespmem:s2+$0x410] =	vst v60  }
0x191: {  	s0 =	smov.u32 s12;
	s12 =	sadd.s32 s4, s3;
	[tilespmem:s11+$0x0] =	vst v44;
	v46 =	vld.idx.msk [tilespmem:v62+s14+$0x0], $0xffff  }
0x192: {  	v60 =	vor.u32 v22, v35;
	[tilespmem:s12+$0x0] =	vst v49;
	v51 =	vld.idx.msk [tilespmem:v59+s14+$0x0], $0xffff  }
0x193: {  	v61 =	vor.u32 v32, v41;
	v49 =	vld.idx.msk [tilespmem:v63+s14+$0x0], $0xffff  }
0x194: {  	s17 =	rddreg [dreg:$0x11];
	[tilespmem:s16+$0x410] =	vst v48;
	v59 =	vor.u32 v5, v38;
	v44 =	vld.idx.msk [tilespmem:v58+s14+$0x0], $0xffff  }
0x195: {  	[dreg:$0x1c] =	wrdreg s5;
	v50 =	vor.u32 v23, v37;
	s3 =	smov.u32 s26;
	s26 =	sor.u32 $0xC40, s6;
	v47 =	vld.idx.msk [tilespmem:v47+s14+$0x0], $0xffff;
	[tilespmem:s31+$0x820] =	vst v53  }
0x196: {  	[dreg:$0x1a] =	wrdreg s10;
	s22 =	sadd.s32 s8, s29;
	v62 =	vor.u32 v14, v40;
	[tilespmem:s26+$0x1D200] =	vst v52  }
0x197: {  	s5 =	smov.u32 s17;
	s30 =	smov.u32 s20;
	s17 =	sor.u32 $0xC10, s22;
	v63 =	vor.u32 v5, v43;
	v54 =	vld.idx.msk [tilespmem:v60+s14+$0x0], $0xffff;
	[tilespmem:s13+$0x830] =	vst v46  }
0x198: {  	s8 =	sor.u32 $0xC00, s22;
	s23 =	sor.u32 $0xC20, s22;
	[dreg:$0x16] =	wrdreg s17;
	v60 =	vor.u32 v14, v36;
	[tilespmem:s11+$0x10] =	vst v51;
	v46 =	vld.idx.msk [tilespmem:v61+s14+$0x0], $0xffff  }
0x199: {  	s10 =	sor.u32 $0xC40, s22;
	s20 =	sor.u32 $0xC70, s22;
	[dreg:$0x11] =	wrdreg s23;
	[tilespmem:s2+$0x420] =	vst v49;
	v53 =	vld.idx.msk [tilespmem:v59+s14+$0x0], $0xffff  }
0x19a: {  	s23 =	smov.u32 s18;
	s18 =	sor.u32 $0xC30, s22;
	s17 =	sor.u32 $0xC60, s22;
	v61 =	vor.u32 v23, v35;
	v50 =	vld.idx.msk [tilespmem:v50+s14+$0x0], $0xffff;
	[tilespmem:s12+$0x10] =	vst v44  }
0x19b: {  	s4 =	smov.u32 s25;
	s25 =	rddreg [dreg:$0xe];
	s9 =	sor.u32 $0xC50, s22;
	v48 =	vor.u32 v33, v41;
	v44 =	vld.idx.msk [tilespmem:v62+s14+$0x0], $0xffff  }
0x19c: {  	v55 =	vor.u32 v24, v37;
	s22 =	smov.u32 s28;
	s28 =	smov.u32 s25;
	s25 =	smov.u32 s24;
	[tilespmem:s16+$0x420] =	vst v47;
	v51 =	vld.idx.msk [tilespmem:v63+s14+$0x0], $0xffff  }
0x19d: {  	[dreg:$0xe] =	wrdreg s25;
	s25 =	smov.u32 s4;
	s4 =	sor.u32 $0xC50, s6;
	v52 =	vld.idx.msk [tilespmem:v60+s14+$0x0], $0xffff;
	[tilespmem:s31+$0x830] =	vst v54;
	v60 =	vor.u32 v6, v38  }
0x19e: {  	v62 =	vor.u32 v15, v40;
	[tilespmem:s4+$0x1D200] =	vst v46  }
0x19f: {  	v63 =	vor.u32 v6, v43;
	v49 =	vld.idx.msk [tilespmem:v61+s14+$0x0], $0xffff;
	[tilespmem:s13+$0x840] =	vst v50  }
0x1a0: {  	v61 =	vor.u32 v15, v36;
	v48 =	vld.idx.msk [tilespmem:v48+s14+$0x0], $0xffff;
	[tilespmem:s2+$0x430] =	vst v44  }
0x1a1: {  	[tilespmem:s11+$0x20] =	vst v53;
	v50 =	vld.idx.msk [tilespmem:v55+s14+$0x0], $0xffff  }
0x1a2: {  	v44 =	vor.u32 v24, v35;
	[tilespmem:s12+$0x20] =	vst v51;
	v54 =	vld.idx.msk [tilespmem:v60+s14+$0x0], $0xffff  }
0x1a3: {  	v51 =	vor.u32 v34, v41;
	v41 =	vmov v37;
	v47 =	vld.idx.msk [tilespmem:v62+s14+$0x0], $0xffff  }
0x1a4: {  	[tilespmem:s16+$0x430] =	vst v52;
	v53 =	vld.idx.msk [tilespmem:v63+s14+$0x0], $0xffff;
	v62 =	vor.u32 v25, v41  }
0x1a5: {  	s26 =	sor.u32 $0xC60, s6;
	v37 =	vmov v40;
	v46 =	vld.idx.msk [tilespmem:v61+s14+$0x0], $0xffff;
	[tilespmem:s31+$0x840] =	vst v49;
	v61 =	vor.u32 v7, v38  }
0x1a6: {  	v40 =	vmov v43;
	v52 =	vor.u32 v16, v37;
	[tilespmem:s26+$0x1D200] =	vst v48  }
0x1a7: {  	v63 =	vmov s7;
	v60 =	vor.u32 v7, v40;
	v44 =	vld.idx.msk [tilespmem:v44+s14+$0x0], $0xffff;
	[tilespmem:s13+$0x850] =	vst v50  }
0x1a8: {  	v43 =	vperm.xlane v42, v63;
	v48 =	vor.u32 v16, v36;
	v50 =	vld.idx.msk [tilespmem:v51+s14+$0x0], $0xffff;
	[tilespmem:s2+$0x440] =	vst v47  }
0x1a9: {  	[tilespmem:s11+$0x30] =	vst v54;
	v51 =	vld.idx.msk [tilespmem:v62+s14+$0x0], $0xffff  }
0x1aa: {  	v43 =	vshll.u32 v43, $0x9;
	v47 =	vor.u32 v25, v35;
	[tilespmem:s12+$0x30] =	vst v53;
	v49 =	vld.idx.msk [tilespmem:v61+s14+$0x0], $0xffff  }
0x1ab: {  	v62 =	vor.u32 v0, v43;
	v52 =	vld.idx.msk [tilespmem:v52+s14+$0x0], $0xffff  }
0x1ac: {  	v57 =	vor.u32 v8, v38;
	[tilespmem:s16+$0x440] =	vst v46;
	v53 =	vld.idx.msk [tilespmem:v60+s14+$0x0], $0xffff  }
0x1ad: {  	s4 =	sor.u32 $0xC70, s6;
	v63 =	vor.u32 v26, v41;
	v48 =	vld.idx.msk [tilespmem:v48+s14+$0x0], $0xffff;
	[tilespmem:s31+$0x850] =	vst v44  }
0x1ae: {  	v60 =	vor.u32 v17, v37;
	[tilespmem:s4+$0x1D200] =	vst v50  }
0x1af: {  	v61 =	vor.u32 v8, v40;
	v47 =	vld.idx.msk [tilespmem:v47+s14+$0x0], $0xffff;
	[tilespmem:s13+$0x860] =	vst v51  }
0x1b0: {  	v44 =	vld.idx.msk [tilespmem:v62+s14+$0x0], $0xffff;
	v62 =	vor.u32 v17, v36;
	[tilespmem:s11+$0x40] =	vst v49  }
0x1b1: {  	v51 =	vor.u32 v26, v35;
	[tilespmem:s2+$0x450] =	vst v52;
	v55 =	vld.idx.msk [tilespmem:v57+s14+$0x0], $0xffff  }
0x1b2: {  	v52 =	vld.idx.msk [tilespmem:v63+s14+$0x0], $0xffff;
	[tilespmem:s12+$0x40] =	vst v53  }
0x1b3: {  	v53 =	vor.u32 v31, v39;
	v46 =	vld.idx.msk [tilespmem:v60+s14+$0x0], $0xffff  }
0x1b4: {  	v63 =	vor.u32 v27, v41;
	[tilespmem:s16+$0x450] =	vst v48;
	v49 =	vld.idx.msk [tilespmem:v61+s14+$0x0], $0xffff  }
0x1b5: {  	s24 =	smov.u32 s20;
	s20 =	rddreg [dreg:$0x17];
	v60 =	vor.u32 v18, v37;
	v50 =	vld.idx.msk [tilespmem:v62+s14+$0x0], $0xffff;
	[tilespmem:s31+$0x860] =	vst v47  }
0x1b6: {  	v61 =	vor.u32 v9, v40;
	v51 =	vld.idx.msk [tilespmem:v51+s14+$0x0], $0xffff;
	[tilespmem:s20+$0x1D200] =	vst v45  }
0x1b7: {  	s25 =	sadd.s32 $0x2, s25;
	s6 =	rddreg [dreg:$0xf];
	v62 =	vor.u32 v9, v38;
	[tilespmem:s13+$0x870] =	vst v52;
	s13 =	smov.u32 s2  }
0x1b8: {  	s26 =	smov.u32 s3;
	s3 =	rddreg [dreg:$0x1a];
	v45 =	vor.u32 v18, v36;
	v52 =	vld.idx.msk [tilespmem:v53+s14+$0x0], $0xffff;
	s2 =	smov.u32 s12;
	[tilespmem:s13+$0x460] =	vst v46  }
0x1b9: {  	[dreg:$0x17] =	wrdreg s26;
	s4 =	sand.u32 $0x7, s25;
	v46 =	vor.u32 v27, v35;
	v53 =	vld.idx.msk [tilespmem:v63+s14+$0x0], $0xffff;
	[tilespmem:s2+$0x50] =	vst v49  }
0x1ba: {  	s26 =	smov.u32 s6;
	s6 =	sshll.u32 s4, $0x7;
	s4 =	smov.u32 s23;
	v48 =	vld.idx.msk [tilespmem:v60+s14+$0x0], $0xffff  }
0x1bb: {  	s23 =	smov.u32 s5;
	s5 =	rddreg [dreg:$0x19];
	s20 =	smov.u32 s18;
	[tilespmem:s11+$0x50] =	vst v55;
	v63 =	vor.u32 v32, v39;
	v60 =	vld.idx.msk [tilespmem:v61+s14+$0x0], $0xffff  }
0x1bc: {  	s15 =	sadd.s32 $0x400, s15;
	[dreg:$0xf] =	wrdreg s20;
	v61 =	vor.u32 v28, v41;
	v47 =	vld.idx.msk [tilespmem:v62+s14+$0x0], $0xffff;
	[tilespmem:s16+$0x460] =	vst v50  }
0x1bd: {  	s6 =	sadd.s32 s6, s15;
	s20 =	rddreg [dreg:$0x15];
	v62 =	vor.u32 v19, v37;
	v45 =	vld.idx.msk [tilespmem:v45+s14+$0x0], $0xffff;
	[tilespmem:s31+$0x870] =	vst v51  }
0x1be: {  	v57 =	vor.u32 v10, v38;
	s18 =	smov.u32 s30;
	s30 =	rddreg [dreg:$0x1c];
	s12 =	sor.u32 $0xC00, s6;
	v46 =	vld.idx.msk [tilespmem:v46+s14+$0x0], $0xffff;
	[tilespmem:s20+$0x1D200] =	vst v52  }
0x1bf: {  	v58 =	vor.u32 v19, v36;
	[dreg:$0x15] =	wrdreg s4;
	[tilespmem:s12+$0x1D200] =	vst v53  }
0x1c0: {  	s4 =	rddreg [dreg:$0x12];
	s31 =	smov.u32 s16;
	v53 =	vld.idx.msk [tilespmem:v63+s14+$0x0], $0xffff;
	[tilespmem:s13+$0x470] =	vst v48;
	v48 =	vor.u32 v28, v35  }
0x1c1: {  	v56 =	vor.u32 v10, v40;
	s16 =	smov.u32 s11;
	s11 =	smov.u32 s4;
	s4 =	rddreg [dreg:$0x18];
	v59 =	vld.idx.msk [tilespmem:v61+s14+$0x0], $0xffff;
	[tilespmem:s2+$0x60] =	vst v60  }
0x1c2: {  	s12 =	rddreg [dreg:$0x14];
	[tilespmem:s16+$0x60] =	vst v47;
	v60 =	vor.u32 v33, v39;
	v50 =	vld.idx.msk [tilespmem:v62+s14+$0x0], $0xffff  }
0x1c3: {  	p0 =	slt.u32 s7, $0xE;
	v63 =	vor.u32 v29, v41;
	[dreg:$0x14] =	wrdreg s11;
	v52 =	vld.idx.msk [tilespmem:v57+s14+$0x0], $0xffff;
	[tilespmem:s31+$0x470] =	vst v45  }
.Ltmp4:
0x1c4: {  	s20 =	smov.u32 s10;
	s11 =	rddreg [dreg:$0x13];
	v45 =	vld.idx.msk [tilespmem:v58+s14+$0x0], $0xffff;
	[tilespmem:s12+$0x1D200] =	vst v46;
	(pc) =	sbr.rel @p0 .LBB3_3-.Ltmp4, $4  }
0x1c5: {  	s10 =	rddreg [dreg:$0x1b];
	s12 =	smov.u32 s8;
	s8 =	sor.u32 $0xC10, s6;
	v49 =	vld.idx.msk [tilespmem:v48+s14+$0x0], $0xffff;
	[tilespmem:s11+$0x1D200] =	vst v53  }
0x1c6: {  	v51 =	vld.idx.msk [tilespmem:v56+s14+$0x0], $0xffff;
	[dreg:$0x12] =	wrdreg s12;
	s12 =	smov.u32 s1;
	[tilespmem:s8+$0x1D200] =	vst v59  }
0x1c7: {  	v54 =	vor.u32 v11, v40;
	v55 =	vor.u32 v11, v38;
	[dreg:$0x13] =	wrdreg s12;
	s11 =	smov.u32 s0;
	v48 =	vld.idx.msk [tilespmem:v60+s14+$0x0], $0xffff;
	[tilespmem:s13+$0x800] =	vst v50  }
0x1c8: {  	v47 =	vor.u32 v20, v37;
	v46 =	vor.u32 v20, v36;
	s12 =	smov.u32 s9;
	s8 =	sadd.s32 $0x1, s7;
	s7 =	sadd.s32 $0x2, s7;
	v50 =	vor.u32 v29, v35;
	v53 =	vld.idx.msk [tilespmem:v63+s14+$0x0], $0xffff  }
0x1c9: {  	v56 =	vmov s8  }
0x1ca: {  	v42 =	vperm.xlane v42, v56;
	_ =	sdelay $0x1  }
0x1cb: {  	v42 =	vshll.u32 v42, $0x9  }
0x1cc: {  	v62 =	vor.u32 v0, v42;
	_ =	sdelay $0x4  }
0x1cd: {  	v56 =	vld.idx.msk [tilespmem:v62+s14+$0x0], $0xffff  }
0x1ce: {  	s0 =	sadd.s32 $0x400, s29;
	v57 =	vor.u32 v4, v42  }
0x1cf: {  	v58 =	vor.u32 v4, v43;
	s7 =	sadd.s32 $0x100, s19;
	s1 =	sand.u32 $0x1000, s0  }
0x1d0: {  	s9 =	sadd.s32 $0xFFFFFF80, s7;
	s7 =	sand.u32 $0x380, s7;
	s8 =	sadd.s32 $0x1D200, s1  }
0x1d1: {  	s9 =	sand.u32 $0x300, s9;
	s19 =	sadd.s32 s7, s8;
	[smem:$0x7E1] =	sst s0  }
0x1d2: {  	s29 =	sadd.s32 s9, s8;
	[tilespmem:s19+$0x0] =	vst v56  }
0x1d3: {  	[tilespmem:s29+$0x0] =	vst v44;
	v63 =	vld.idx.msk [tilespmem:v57+s14+$0x0], $0xffff  }
0x1d4: {  	v61 =	vor.u32 v5, v42;
	v60 =	vld.idx.msk [tilespmem:v58+s14+$0x0], $0xffff  }
0x1d5: {  	v62 =	vor.u32 v5, v43;
	_ =	sdelay $0x2  }
0x1d6: {  	[tilespmem:s19+$0x10] =	vst v63  }
0x1d7: {  	[tilespmem:s29+$0x10] =	vst v60;
	v44 =	vld.idx.msk [tilespmem:v61+s14+$0x0], $0xffff  }
0x1d8: {  	v56 =	vld.idx.msk [tilespmem:v62+s14+$0x0], $0xffff;
	v63 =	vor.u32 v6, v42  }
0x1d9: {  	v60 =	vor.u32 v6, v43;
	_ =	sdelay $0x2  }
0x1da: {  	[tilespmem:s19+$0x20] =	vst v44  }
0x1db: {  	[tilespmem:s29+$0x20] =	vst v56;
	v44 =	vld.idx.msk [tilespmem:v63+s14+$0x0], $0xffff  }
0x1dc: {  	v61 =	vor.u32 v7, v42;
	v56 =	vld.idx.msk [tilespmem:v60+s14+$0x0], $0xffff  }
0x1dd: {  	v62 =	vor.u32 v7, v43;
	_ =	sdelay $0x2  }
0x1de: {  	[tilespmem:s19+$0x30] =	vst v44  }
0x1df: {  	[tilespmem:s29+$0x30] =	vst v56;
	v44 =	vld.idx.msk [tilespmem:v61+s14+$0x0], $0xffff  }
0x1e0: {  	v63 =	vor.u32 v8, v42;
	v56 =	vld.idx.msk [tilespmem:v62+s14+$0x0], $0xffff  }
0x1e1: {  	v60 =	vor.u32 v8, v43;
	_ =	sdelay $0x2  }
0x1e2: {  	[tilespmem:s19+$0x40] =	vst v44  }
0x1e3: {  	[tilespmem:s29+$0x40] =	vst v56;
	v44 =	vld.idx.msk [tilespmem:v63+s14+$0x0], $0xffff  }
0x1e4: {  	v61 =	vor.u32 v9, v42;
	v56 =	vld.idx.msk [tilespmem:v60+s14+$0x0], $0xffff  }
0x1e5: {  	v62 =	vor.u32 v9, v43;
	_ =	sdelay $0x2  }
0x1e6: {  	[tilespmem:s19+$0x50] =	vst v44  }
0x1e7: {  	[tilespmem:s29+$0x50] =	vst v56;
	v44 =	vld.idx.msk [tilespmem:v61+s14+$0x0], $0xffff  }
0x1e8: {  	v63 =	vor.u32 v10, v42;
	v56 =	vld.idx.msk [tilespmem:v62+s14+$0x0], $0xffff  }
0x1e9: {  	v60 =	vor.u32 v10, v43;
	_ =	sdelay $0x2  }
0x1ea: {  	[tilespmem:s19+$0x60] =	vst v44  }
0x1eb: {  	[tilespmem:s29+$0x60] =	vst v56;
	v44 =	vld.idx.msk [tilespmem:v63+s14+$0x0], $0xffff  }
0x1ec: {  	v61 =	vor.u32 v11, v42;
	v56 =	vld.idx.msk [tilespmem:v60+s14+$0x0], $0xffff  }
0x1ed: {  	[tilespmem:s2+$0x70] =	vst v51;
	v62 =	vor.u32 v11, v43  }
0x1ee: {  	[tilespmem:s16+$0x70] =	vst v52;
	v52 =	vor.u32 v30, v41;
	v51 =	vld.idx.msk [tilespmem:v54+s14+$0x0], $0xffff  }
0x1ef: {  	v54 =	vld.idx.msk [tilespmem:v55+s14+$0x0], $0xffff;
	v63 =	vor.u32 v12, v40  }
0x1f0: {  	v60 =	vor.u32 v12, v38;
	[tilespmem:s19+$0x70] =	vst v44  }
0x1f1: {  	s8 =	sor.u32 $0xC20, s6;
	[tilespmem:s29+$0x70] =	vst v56;
	v56 =	vld.idx.msk [tilespmem:v61+s14+$0x0], $0xffff  }
0x1f2: {  	[tilespmem:s8+$0x1D200] =	vst v53;
	v57 =	vld.idx.msk [tilespmem:v62+s14+$0x0], $0xffff;
	v61 =	vor.u32 v12, v42  }
0x1f3: {  	v52 =	vld.idx.msk [tilespmem:v52+s14+$0x0], $0xffff;
	[tilespmem:s2+$0x400] =	vst v51;
	v62 =	vor.u32 v12, v43  }
0x1f4: {  	[tilespmem:s16+$0x400] =	vst v54;
	v51 =	vld.idx.msk [tilespmem:v63+s14+$0x0], $0xffff;
	v63 =	vor.u32 v31, v41  }
0x1f5: {  	v44 =	vld.idx.msk [tilespmem:v60+s14+$0x0], $0xffff;
	v60 =	vor.u32 v13, v40  }
0x1f6: {  	[tilespmem:s19+$0x400] =	vst v56  }
0x1f7: {  	s9 =	sor.u32 $0xC30, s6;
	[tilespmem:s29+$0x400] =	vst v57;
	v56 =	vor.u32 v13, v38;
	v61 =	vld.idx.msk [tilespmem:v61+s14+$0x0], $0xffff  }
0x1f8: {  	[tilespmem:s9+$0x1D200] =	vst v52;
	v53 =	vld.idx.msk [tilespmem:v62+s14+$0x0], $0xffff;
	v62 =	vor.u32 v13, v42  }
0x1f9: {  	v52 =	vor.u32 v13, v43;
	[tilespmem:s2+$0x410] =	vst v51;
	v63 =	vld.idx.msk [tilespmem:v63+s14+$0x0], $0xffff  }
0x1fa: {  	v54 =	vld.idx.msk [tilespmem:v60+s14+$0x0], $0xffff  }
0x1fb: {  	[tilespmem:s16+$0x410] =	vst v44;
	v60 =	vor.u32 v14, v40  }
0x1fc: {  	v44 =	vor.u32 v32, v41;
	v56 =	vld.idx.msk [tilespmem:v56+s14+$0x0], $0xffff;
	[tilespmem:s19+$0x410] =	vst v61  }
0x1fd: {  	s0 =	sor.u32 $0xC40, s6;
	[tilespmem:s29+$0x410] =	vst v53;
	v61 =	vor.u32 v14, v38;
	v57 =	vld.idx.msk [tilespmem:v62+s14+$0x0], $0xffff  }
0x1fe: {  	v52 =	vld.idx.msk [tilespmem:v52+s14+$0x0], $0xffff;
	[tilespmem:s0+$0x1D200] =	vst v63;
	v62 =	vor.u32 v14, v42  }
0x1ff: {  	v63 =	vor.u32 v14, v43;
	[tilespmem:s2+$0x420] =	vst v54  }
0x200: {  	[tilespmem:s5+$0x1D200] =	vst v49;
	v54 =	vld.idx.msk [tilespmem:v60+s14+$0x0], $0xffff  }
0x201: {  	v44 =	vld.idx.msk [tilespmem:v44+s14+$0x0], $0xffff;
	v60 =	vor.u32 v15, v40;
	[tilespmem:s16+$0x420] =	vst v56  }
0x202: {  	v55 =	vor.u32 v33, v41;
	v53 =	vld.idx.msk [tilespmem:v61+s14+$0x0], $0xffff;
	[tilespmem:s19+$0x420] =	vst v57  }
0x203: {  	[tilespmem:s29+$0x420] =	vst v52;
	v61 =	vor.u32 v15, v38;
	v49 =	vld.idx.msk [tilespmem:v62+s14+$0x0], $0xffff  }
0x204: {  	[tilespmem:s4+$0x1D200] =	vst v48;
	v51 =	vld.idx.msk [tilespmem:v63+s14+$0x0], $0xffff;
	v62 =	vor.u32 v15, v42  }
0x205: {  	s1 =	sor.u32 $0xC50, s6;
	v63 =	vld.idx.msk [tilespmem:v50+s14+$0x0], $0xffff;
	[tilespmem:s2+$0x430] =	vst v54;
	v57 =	vor.u32 v15, v43  }
0x206: {  	v39 =	vor.u32 v34, v39;
	[tilespmem:s1+$0x1D200] =	vst v44;
	v54 =	vld.idx.msk [tilespmem:v60+s14+$0x0], $0xffff  }
0x207: {  	v59 =	vor.u32 v16, v40;
	v55 =	vld.idx.msk [tilespmem:v55+s14+$0x0], $0xffff;
	[tilespmem:s16+$0x430] =	vst v53  }
0x208: {  	v58 =	vor.u32 v34, v41;
	v52 =	vld.idx.msk [tilespmem:v61+s14+$0x0], $0xffff;
	[tilespmem:s19+$0x430] =	vst v49  }
0x209: {  	v60 =	vor.u32 v16, v38;
	[tilespmem:s29+$0x430] =	vst v51;
	v48 =	vld.idx.msk [tilespmem:v62+s14+$0x0], $0xffff  }
0x20a: {  	[tilespmem:s3+$0x1D200] =	vst v63;
	v61 =	vor.u32 v16, v42;
	v50 =	vld.idx.msk [tilespmem:v57+s14+$0x0], $0xffff  }
0x20b: {  	s5 =	sor.u32 $0xC60, s6;
	v39 =	vld.idx.msk [tilespmem:v39+s14+$0x0], $0xffff;
	[tilespmem:s2+$0x440] =	vst v54;
	v62 =	vor.u32 v16, v43  }
0x20c: {  	[tilespmem:s5+$0x1D200] =	vst v55;
	v53 =	vld.idx.msk [tilespmem:v59+s14+$0x0], $0xffff  }
0x20d: {  	v56 =	vor.u32 v17, v40;
	v41 =	vld.idx.msk [tilespmem:v58+s14+$0x0], $0xffff;
	[tilespmem:s16+$0x440] =	vst v52  }
0x20e: {  	v63 =	vor.u32 v30, v35;
	v49 =	vld.idx.msk [tilespmem:v60+s14+$0x0], $0xffff;
	[tilespmem:s19+$0x440] =	vst v48  }
0x20f: {  	v57 =	vor.u32 v17, v38;
	[tilespmem:s29+$0x440] =	vst v50;
	v44 =	vld.idx.msk [tilespmem:v61+s14+$0x0], $0xffff  }
0x210: {  	[tilespmem:s22+$0x1D200] =	vst v39;
	v58 =	vor.u32 v17, v42;
	v50 =	vld.idx.msk [tilespmem:v62+s14+$0x0], $0xffff  }
0x211: {  	s6 =	sor.u32 $0xC70, s6;
	v60 =	vor.u32 v17, v43;
	[tilespmem:s2+$0x450] =	vst v53  }
0x212: {  	[tilespmem:s6+$0x1D200] =	vst v41;
	v52 =	vld.idx.msk [tilespmem:v56+s14+$0x0], $0xffff  }
0x213: {  	v59 =	vld.idx.msk [tilespmem:v63+s14+$0x0], $0xffff;
	v61 =	vor.u32 v18, v40;
	[tilespmem:s16+$0x450] =	vst v49  }
0x214: {  	v48 =	vld.idx.msk [tilespmem:v57+s14+$0x0], $0xffff;
	[tilespmem:s19+$0x450] =	vst v44  }
0x215: {  	v62 =	vor.u32 v18, v38;
	[tilespmem:s29+$0x450] =	vst v50;
	v39 =	vld.idx.msk [tilespmem:v58+s14+$0x0], $0xffff  }
0x216: {  	v63 =	vor.u32 v18, v42;
	v50 =	vld.idx.msk [tilespmem:v60+s14+$0x0], $0xffff;
	s7 =	rddreg [dreg:$0x17];
	[tilespmem:s31+$0x800] =	vst v45  }
0x217: {  	v47 =	vld.idx.msk [tilespmem:v47+s14+$0x0], $0xffff;
	v56 =	vor.u32 v18, v43;
	[tilespmem:s2+$0x460] =	vst v52  }
0x218: {  	v57 =	vor.u32 v21, v37;
	[tilespmem:s7+$0x1D200] =	vst v59;
	v49 =	vld.idx.msk [tilespmem:v61+s14+$0x0], $0xffff  }
0x219: {  	v46 =	vld.idx.msk [tilespmem:v46+s14+$0x0], $0xffff;
	v59 =	vor.u32 v19, v40;
	[tilespmem:s16+$0x460] =	vst v48  }
0x21a: {  	v58 =	vor.u32 v21, v36;
	v44 =	vld.idx.msk [tilespmem:v62+s14+$0x0], $0xffff;
	[tilespmem:s19+$0x460] =	vst v39  }
0x21b: {  	v60 =	vor.u32 v19, v38;
	[tilespmem:s29+$0x460] =	vst v50;
	v41 =	vld.idx.msk [tilespmem:v63+s14+$0x0], $0xffff  }
0x21c: {  	[tilespmem:s13+$0x810] =	vst v47;
	v61 =	vor.u32 v19, v42;
	v45 =	vld.idx.msk [tilespmem:v56+s14+$0x0], $0xffff  }
0x21d: {  	v62 =	vld.idx.msk [tilespmem:v57+s14+$0x0], $0xffff;
	v63 =	vor.u32 v19, v43;
	[tilespmem:s2+$0x470] =	vst v49  }
0x21e: {  	v56 =	vor.u32 v22, v37;
	[tilespmem:s31+$0x810] =	vst v46;
	v48 =	vld.idx.msk [tilespmem:v59+s14+$0x0], $0xffff  }
0x21f: {  	v52 =	vld.idx.msk [tilespmem:v58+s14+$0x0], $0xffff;
	v58 =	vor.u32 v20, v40;
	[tilespmem:s16+$0x470] =	vst v44  }
0x220: {  	v57 =	vor.u32 v22, v36;
	v39 =	vld.idx.msk [tilespmem:v60+s14+$0x0], $0xffff;
	[tilespmem:s19+$0x470] =	vst v41  }
0x221: {  	v59 =	vor.u32 v20, v38;
	[tilespmem:s29+$0x470] =	vst v45;
	v47 =	vld.idx.msk [tilespmem:v61+s14+$0x0], $0xffff  }
0x222: {  	[tilespmem:s13+$0x820] =	vst v62;
	v60 =	vor.u32 v20, v42;
	v46 =	vld.idx.msk [tilespmem:v63+s14+$0x0], $0xffff  }
0x223: {  	v50 =	vld.idx.msk [tilespmem:v56+s14+$0x0], $0xffff;
	v61 =	vor.u32 v20, v43;
	[tilespmem:s2+$0x800] =	vst v48  }
0x224: {  	v62 =	vor.u32 v23, v37;
	[tilespmem:s31+$0x820] =	vst v52;
	v44 =	vld.idx.msk [tilespmem:v58+s14+$0x0], $0xffff  }
0x225: {  	v56 =	vor.u32 v21, v40;
	v49 =	vld.idx.msk [tilespmem:v57+s14+$0x0], $0xffff;
	[tilespmem:s16+$0x800] =	vst v39  }
0x226: {  	v63 =	vor.u32 v23, v36;
	v41 =	vld.idx.msk [tilespmem:v59+s14+$0x0], $0xffff;
	[tilespmem:s19+$0x800] =	vst v47  }
0x227: {  	v57 =	vor.u32 v21, v38;
	[tilespmem:s29+$0x800] =	vst v46;
	v45 =	vld.idx.msk [tilespmem:v60+s14+$0x0], $0xffff  }
0x228: {  	v58 =	vor.u32 v21, v42;
	[tilespmem:s13+$0x830] =	vst v50;
	v59 =	vld.idx.msk [tilespmem:v61+s14+$0x0], $0xffff  }
0x229: {  	v61 =	vor.u32 v21, v43;
	v60 =	vld.idx.msk [tilespmem:v62+s14+$0x0], $0xffff;
	[tilespmem:s2+$0x810] =	vst v44  }
0x22a: {  	[tilespmem:s31+$0x830] =	vst v49;
	v62 =	vor.u32 v24, v37;
	v39 =	vld.idx.msk [tilespmem:v56+s14+$0x0], $0xffff  }
0x22b: {  	v48 =	vld.idx.msk [tilespmem:v63+s14+$0x0], $0xffff;
	v56 =	vor.u32 v22, v40;
	[tilespmem:s16+$0x810] =	vst v41  }
0x22c: {  	v63 =	vor.u32 v24, v36;
	v47 =	vld.idx.msk [tilespmem:v57+s14+$0x0], $0xffff;
	[tilespmem:s19+$0x810] =	vst v45  }
0x22d: {  	v57 =	vor.u32 v22, v38;
	[tilespmem:s29+$0x810] =	vst v59;
	v46 =	vld.idx.msk [tilespmem:v58+s14+$0x0], $0xffff  }
0x22e: {  	[tilespmem:s13+$0x840] =	vst v60;
	v49 =	vld.idx.msk [tilespmem:v61+s14+$0x0], $0xffff;
	v58 =	vor.u32 v22, v42  }
0x22f: {  	v59 =	vor.u32 v22, v43;
	v51 =	vld.idx.msk [tilespmem:v62+s14+$0x0], $0xffff;
	[tilespmem:s2+$0x820] =	vst v39  }
0x230: {  	v60 =	vor.u32 v25, v37;
	[tilespmem:s31+$0x840] =	vst v48;
	v41 =	vld.idx.msk [tilespmem:v56+s14+$0x0], $0xffff  }
0x231: {  	v62 =	vor.u32 v23, v40;
	v44 =	vld.idx.msk [tilespmem:v63+s14+$0x0], $0xffff;
	[tilespmem:s16+$0x820] =	vst v47  }
0x232: {  	v61 =	vor.u32 v25, v36;
	v45 =	vld.idx.msk [tilespmem:v57+s14+$0x0], $0xffff;
	[tilespmem:s19+$0x820] =	vst v46  }
0x233: {  	v63 =	vor.u32 v23, v38;
	[tilespmem:s29+$0x820] =	vst v49;
	v50 =	vld.idx.msk [tilespmem:v58+s14+$0x0], $0xffff  }
0x234: {  	v56 =	vor.u32 v23, v42;
	[tilespmem:s13+$0x850] =	vst v51;
	v48 =	vld.idx.msk [tilespmem:v59+s14+$0x0], $0xffff  }
0x235: {  	v57 =	vor.u32 v23, v43;
	v51 =	vld.idx.msk [tilespmem:v60+s14+$0x0], $0xffff;
	[tilespmem:s2+$0x830] =	vst v41  }
0x236: {  	[tilespmem:s31+$0x850] =	vst v44;
	v58 =	vor.u32 v26, v37;
	v47 =	vld.idx.msk [tilespmem:v62+s14+$0x0], $0xffff  }
0x237: {  	v60 =	vor.u32 v24, v40;
	v39 =	vld.idx.msk [tilespmem:v61+s14+$0x0], $0xffff;
	[tilespmem:s16+$0x830] =	vst v45  }
0x238: {  	v59 =	vor.u32 v26, v36;
	v46 =	vld.idx.msk [tilespmem:v63+s14+$0x0], $0xffff;
	[tilespmem:s19+$0x830] =	vst v50  }
0x239: {  	v61 =	vor.u32 v24, v38;
	[tilespmem:s29+$0x830] =	vst v48;
	v49 =	vld.idx.msk [tilespmem:v56+s14+$0x0], $0xffff  }
0x23a: {  	v62 =	vor.u32 v24, v42;
	[tilespmem:s13+$0x860] =	vst v51;
	v44 =	vld.idx.msk [tilespmem:v57+s14+$0x0], $0xffff  }
0x23b: {  	v63 =	vor.u32 v24, v43;
	v51 =	vld.idx.msk [tilespmem:v58+s14+$0x0], $0xffff;
	[tilespmem:s2+$0x840] =	vst v47  }
0x23c: {  	v57 =	vor.u32 v27, v37;
	[tilespmem:s31+$0x860] =	vst v39;
	v45 =	vld.idx.msk [tilespmem:v60+s14+$0x0], $0xffff  }
0x23d: {  	v58 =	vor.u32 v25, v40;
	v41 =	vld.idx.msk [tilespmem:v59+s14+$0x0], $0xffff;
	[tilespmem:s16+$0x840] =	vst v46  }
0x23e: {  	v56 =	vor.u32 v31, v35;
	v50 =	vld.idx.msk [tilespmem:v61+s14+$0x0], $0xffff;
	[tilespmem:s19+$0x840] =	vst v49  }
0x23f: {  	v59 =	vor.u32 v25, v38;
	[tilespmem:s29+$0x840] =	vst v44;
	v48 =	vld.idx.msk [tilespmem:v62+s14+$0x0], $0xffff  }
0x240: {  	v60 =	vor.u32 v25, v42;
	[tilespmem:s13+$0x870] =	vst v51;
	v39 =	vld.idx.msk [tilespmem:v63+s14+$0x0], $0xffff  }
0x241: {  	s8 =	sadd.s32 $0x2, s25;
	v62 =	vor.u32 v25, v43;
	v47 =	vld.idx.msk [tilespmem:v57+s14+$0x0], $0xffff;
	[tilespmem:s2+$0x850] =	vst v45  }
0x242: {  	s9 =	sand.u32 $0x7, s8;
	[tilespmem:s31+$0x870] =	vst v41;
	v46 =	vld.idx.msk [tilespmem:v58+s14+$0x0], $0xffff  }
0x243: {  	s3 =	sshll.u32 s9, $0x7;
	v61 =	vld.idx.msk [tilespmem:v56+s14+$0x0], $0xffff;
	v63 =	vor.u32 v27, v36;
	s13 =	sadd.s32 $0x400, s15;
	[tilespmem:s16+$0x850] =	vst v50  }
0x244: {  	v57 =	vor.u32 v26, v40;
	s3 =	sadd.s32 s3, s13;
	v49 =	vld.idx.msk [tilespmem:v59+s14+$0x0], $0xffff;
	[tilespmem:s19+$0x850] =	vst v48  }
0x245: {  	v56 =	vor.u32 v32, v35;
	s15 =	sor.u32 $0xC00, s3;
	[tilespmem:s29+$0x850] =	vst v39;
	v44 =	vld.idx.msk [tilespmem:v60+s14+$0x0], $0xffff  }
0x246: {  	v58 =	vor.u32 v26, v38;
	s0 =	rddreg [dreg:$0x15];
	v60 =	vld.idx.msk [tilespmem:v62+s14+$0x0], $0xffff;
	[tilespmem:s15+$0x1D200] =	vst v47  }
0x247: {  	v59 =	vor.u32 v26, v42;
	[tilespmem:s2+$0x860] =	vst v46  }
0x248: {  	v62 =	vor.u32 v26, v43;
	[tilespmem:s0+$0x1D200] =	vst v61;
	v61 =	vld.idx.msk [tilespmem:v63+s14+$0x0], $0xffff  }
0x249: {  	v63 =	vor.u32 v28, v37;
	v50 =	vld.idx.msk [tilespmem:v57+s14+$0x0], $0xffff;
	[tilespmem:s16+$0x860] =	vst v49  }
0x24a: {  	v45 =	vld.idx.msk [tilespmem:v56+s14+$0x0], $0xffff;
	[tilespmem:s19+$0x860] =	vst v44  }
0x24b: {  	v55 =	vor.u32 v28, v36;
	v48 =	vld.idx.msk [tilespmem:v58+s14+$0x0], $0xffff;
	[tilespmem:s29+$0x860] =	vst v60  }
0x24c: {  	v56 =	vor.u32 v27, v40;
	v39 =	vld.idx.msk [tilespmem:v59+s14+$0x0], $0xffff;
	s0 =	rddreg [dreg:$0x14]  }
0x24d: {  	v59 =	vld.idx.msk [tilespmem:v62+s14+$0x0], $0xffff;
	[tilespmem:s0+$0x1D200] =	vst v61  }
0x24e: {  	v57 =	vor.u32 v27, v38;
	v60 =	vld.idx.msk [tilespmem:v63+s14+$0x0], $0xffff;
	s0 =	rddreg [dreg:$0x13];
	[tilespmem:s2+$0x870] =	vst v50  }
0x24f: {  	v62 =	vor.u32 v33, v35;
	[tilespmem:s0+$0x1D200] =	vst v45  }
0x250: {  	v58 =	vor.u32 v27, v42;
	v46 =	vld.idx.msk [tilespmem:v55+s14+$0x0], $0xffff;
	[tilespmem:s16+$0x870] =	vst v48  }
0x251: {  	s22 =	sadd.s32 $0x2, s8;
	v61 =	vor.u32 v27, v43;
	v49 =	vld.idx.msk [tilespmem:v56+s14+$0x0], $0xffff;
	[tilespmem:s19+$0x870] =	vst v39  }
0x252: {  	s4 =	sand.u32 $0x7, s22;
	s25 =	sor.u32 $0xC10, s3;
	v63 =	vor.u32 v29, v37;
	[tilespmem:s29+$0x870] =	vst v59  }
0x253: {  	s4 =	sshll.u32 s4, $0x7;
	s5 =	sadd.s32 $0x400, s13;
	v44 =	vld.idx.msk [tilespmem:v57+s14+$0x0], $0xffff;
	[tilespmem:s25+$0x1D200] =	vst v60  }
0x254: {  	v55 =	vor.u32 v28, v40;
	s0 =	sadd.s32 s4, s5;
	v50 =	vld.idx.msk [tilespmem:v62+s14+$0x0], $0xffff;
	s9 =	rddreg [dreg:$0x10]  }
0x255: {  	s13 =	sor.u32 $0xC00, s0;
	v60 =	vor.u32 v29, v36;
	v41 =	vld.idx.msk [tilespmem:v58+s14+$0x0], $0xffff;
	[tilespmem:s9+$0x1D200] =	vst v46  }
0x256: {  	s1 =	sadd.s32 $0x1, s21;
	s31 =	sadd.s32 $0x2, s22;
	v56 =	vor.u32 v28, v38;
	v58 =	vld.idx.msk [tilespmem:v61+s14+$0x0], $0xffff;
	[tilespmem:s13+$0x1D200] =	vst v49  }
0x257: {  	s7 =	sand.u32 $0x3, s1;
	s8 =	sand.u32 $0x7, s31;
	v62 =	vor.u32 v34, v35;
	v61 =	vld.idx.msk [tilespmem:v63+s14+$0x0], $0xffff;
	s4 =	sld [smem:$0x7E1]  }
0x258: {  	s1 =	sshll.u32 s8, $0x7;
	s5 =	sadd.s32 $0x400, s5;
	v57 =	vor.u32 v28, v42;
	s15 =	rddreg [dreg:$0x12]  }
0x259: {  	s1 =	sadd.s32 s1, s5;
	v59 =	vor.u32 v28, v43;
	v39 =	vld.idx.msk [tilespmem:v55+s14+$0x0], $0xffff;
	[tilespmem:s15+$0x1D200] =	vst v44  }
0x25a: {  	s2 =	sshll.u32 s7, $0x8;
	s16 =	sor.u32 $0xC00, s1;
	v63 =	vor.u32 v29, v40;
	[tilespmem:s30+$0x1D200] =	vst v50;
	v49 =	vld.idx.msk [tilespmem:v60+s14+$0x0], $0xffff  }
0x25b: {  	s21 =	sor.u32 $0xC20, s3;
	[tilespmem:s16+$0x1D200] =	vst v41;
	v44 =	vld.idx.msk [tilespmem:v56+s14+$0x0], $0xffff;
	s2 =	sadd.s32 s2, s4  }
0x25c: {  	v54 =	vor.u32 v29, v38;
	[tilespmem:s21+$0x1D200] =	vst v61;
	v35 =	vld.idx.msk [tilespmem:v62+s14+$0x0], $0xffff;
	s19 =	sor.u32 $0xC00, s2  }
0x25d: {  	s22 =	sor.u32 $0xC10, s0;
	v45 =	vld.idx.msk [tilespmem:v57+s14+$0x0], $0xffff;
	v57 =	vor.u32 v30, v37;
	[tilespmem:s19+$0x1D200] =	vst v58  }
0x25e: {  	v55 =	vor.u32 v29, v42;
	[tilespmem:s22+$0x1D200] =	vst v39;
	v46 =	vld.idx.msk [tilespmem:v59+s14+$0x0], $0xffff  }
0x25f: {  	v58 =	vor.u32 v30, v36;
	v41 =	vld.idx.msk [tilespmem:v63+s14+$0x0], $0xffff;
	s4 =	rddreg [dreg:$0x16];
	[tilespmem:s23+$0x1D200] =	vst v49  }
0x260: {  	v56 =	vor.u32 v29, v43;
	[tilespmem:s4+$0x1D200] =	vst v44  }
0x261: {  	s25 =	sor.u32 $0xC10, s1;
	v59 =	vor.u32 v30, v40;
	[tilespmem:s28+$0x1D200] =	vst v35;
	v60 =	vld.idx.msk [tilespmem:v54+s14+$0x0], $0xffff  }
0x262: {  	s29 =	sor.u32 $0xC10, s2;
	[tilespmem:s25+$0x1D200] =	vst v45;
	v39 =	vld.idx.msk [tilespmem:v57+s14+$0x0], $0xffff  }
0x263: {  	s30 =	sor.u32 $0xC20, s0;
	v61 =	vor.u32 v30, v38;
	v62 =	vld.idx.msk [tilespmem:v55+s14+$0x0], $0xffff;
	[tilespmem:s29+$0x1D200] =	vst v46  }
0x264: {  	v63 =	vor.u32 v30, v42;
	v57 =	vld.idx.msk [tilespmem:v58+s14+$0x0], $0xffff;
	[tilespmem:s30+$0x1D200] =	vst v41  }
0x265: {  	v54 =	vld.idx.msk [tilespmem:v56+s14+$0x0], $0xffff;
	v56 =	vor.u32 v31, v37;
	s4 =	rddreg [dreg:$0x11]  }
0x266: {  	s6 =	sor.u32 $0xC30, s3;
	v55 =	vor.u32 v30, v43;
	v44 =	vld.idx.msk [tilespmem:v59+s14+$0x0], $0xffff;
	[tilespmem:s4+$0x1D200] =	vst v60  }
0x267: {  	s31 =	sor.u32 $0xC20, s1;
	v59 =	vor.u32 v31, v40;
	[tilespmem:s6+$0x1D200] =	vst v39  }
0x268: {  	v58 =	vor.u32 v31, v36;
	[tilespmem:s31+$0x1D200] =	vst v62;
	v46 =	vld.idx.msk [tilespmem:v61+s14+$0x0], $0xffff  }
0x269: {  	s5 =	sor.u32 $0xC20, s2;
	v60 =	vor.u32 v31, v38;
	v48 =	vld.idx.msk [tilespmem:v63+s14+$0x0], $0xffff;
	[tilespmem:s26+$0x1D200] =	vst v57  }
0x26a: {  	s7 =	sor.u32 $0xC30, s0;
	v61 =	vor.u32 v31, v42;
	[tilespmem:s5+$0x1D200] =	vst v54;
	v41 =	vld.idx.msk [tilespmem:v56+s14+$0x0], $0xffff  }
0x26b: {  	v63 =	vor.u32 v32, v37;
	[tilespmem:s7+$0x1D200] =	vst v44;
	v35 =	vld.idx.msk [tilespmem:v55+s14+$0x0], $0xffff  }
0x26c: {  	v62 =	vor.u32 v31, v43;
	v45 =	vld.idx.msk [tilespmem:v59+s14+$0x0], $0xffff;
	s4 =	rddreg [dreg:$0xf]  }
0x26d: {  	s8 =	sor.u32 $0xC30, s1;
	v50 =	vld.idx.msk [tilespmem:v58+s14+$0x0], $0xffff;
	v55 =	vor.u32 v32, v40;
	[tilespmem:s4+$0x1D200] =	vst v46  }
0x26e: {  	s13 =	sor.u32 $0xC40, s3;
	v54 =	vor.u32 v32, v36;
	[tilespmem:s8+$0x1D200] =	vst v48;
	v47 =	vld.idx.msk [tilespmem:v60+s14+$0x0], $0xffff  }
0x26f: {  	s9 =	sor.u32 $0xC30, s2;
	v56 =	vor.u32 v32, v38;
	v39 =	vld.idx.msk [tilespmem:v61+s14+$0x0], $0xffff;
	[tilespmem:s13+$0x1D200] =	vst v41  }
0x270: {  	s15 =	sor.u32 $0xC40, s0;
	v57 =	vor.u32 v32, v42;
	[tilespmem:s9+$0x1D200] =	vst v35;
	v44 =	vld.idx.msk [tilespmem:v63+s14+$0x0], $0xffff  }
0x271: {  	v60 =	vor.u32 v33, v37;
	[tilespmem:s15+$0x1D200] =	vst v45;
	v58 =	vld.idx.msk [tilespmem:v62+s14+$0x0], $0xffff  }
0x272: {  	v59 =	vor.u32 v32, v43;
	[tilespmem:s18+$0x1D200] =	vst v50;
	v46 =	vld.idx.msk [tilespmem:v55+s14+$0x0], $0xffff  }
0x273: {  	s16 =	sor.u32 $0xC40, s1;
	v50 =	vld.idx.msk [tilespmem:v54+s14+$0x0], $0xffff;
	v62 =	vor.u32 v33, v40;
	[tilespmem:s20+$0x1D200] =	vst v47  }
0x274: {  	s19 =	sor.u32 $0xC50, s3;
	v61 =	vor.u32 v33, v36;
	[tilespmem:s16+$0x1D200] =	vst v39;
	v35 =	vld.idx.msk [tilespmem:v56+s14+$0x0], $0xffff  }
0x275: {  	s18 =	sor.u32 $0xC40, s2;
	v63 =	vor.u32 v33, v38;
	v41 =	vld.idx.msk [tilespmem:v57+s14+$0x0], $0xffff;
	[tilespmem:s19+$0x1D200] =	vst v44  }
0x276: {  	v52 =	vor.u32 v33, v42;
	s20 =	sor.u32 $0xC50, s0;
	[tilespmem:s18+$0x1D200] =	vst v58;
	v45 =	vld.idx.msk [tilespmem:v60+s14+$0x0], $0xffff  }
0x277: {  	v54 =	vor.u32 v34, v37;
	[tilespmem:s20+$0x1D200] =	vst v46;
	v48 =	vld.idx.msk [tilespmem:v59+s14+$0x0], $0xffff  }
0x278: {  	v53 =	vor.u32 v33, v43;
	[tilespmem:s11+$0x1D200] =	vst v50;
	v39 =	vld.idx.msk [tilespmem:v62+s14+$0x0], $0xffff  }
0x279: {  	s21 =	sor.u32 $0xC50, s1;
	v57 =	vor.u32 v34, v40;
	v55 =	vld.idx.msk [tilespmem:v61+s14+$0x0], $0xffff;
	[tilespmem:s12+$0x1D200] =	vst v35  }
0x27a: {  	s23 =	sor.u32 $0xC60, s3;
	v56 =	vor.u32 v34, v36;
	[tilespmem:s21+$0x1D200] =	vst v41;
	v58 =	vld.idx.msk [tilespmem:v63+s14+$0x0], $0xffff  }
0x27b: {  	s22 =	sor.u32 $0xC50, s2;
	v59 =	vor.u32 v34, v38;
	v41 =	vld.idx.msk [tilespmem:v52+s14+$0x0], $0xffff;
	[tilespmem:s23+$0x1D200] =	vst v45  }
0x27c: {  	s25 =	sor.u32 $0xC60, s0;
	[tilespmem:s22+$0x1D200] =	vst v48;
	v37 =	vld.idx.msk [tilespmem:v54+s14+$0x0], $0xffff  }
0x27d: {  	[tilespmem:s25+$0x1D200] =	vst v39;
	v60 =	vld.idx.msk [tilespmem:v53+s14+$0x0], $0xffff  }
0x27e: {  	[tilespmem:s10+$0x1D200] =	vst v55;
	v35 =	vld.idx.msk [tilespmem:v57+s14+$0x0], $0xffff  }
0x27f: {  	s26 =	sor.u32 $0xC60, s1;
	v36 =	vld.idx.msk [tilespmem:v56+s14+$0x0], $0xffff;
	[tilespmem:s17+$0x1D200] =	vst v58  }
0x280: {  	s3 =	sor.u32 $0xC70, s3;
	v42 =	vor.u32 v34, v42;
	[tilespmem:s26+$0x1D200] =	vst v41;
	v38 =	vld.idx.msk [tilespmem:v59+s14+$0x0], $0xffff  }
0x281: {  	s28 =	sor.u32 $0xC60, s2;
	v61 =	vor.u32 v34, v43;
	[tilespmem:s3+$0x1D200] =	vst v37  }
0x282: {  	s0 =	sor.u32 $0xC70, s0;
	[tilespmem:s28+$0x1D200] =	vst v60  }
0x283: {  	s3 =	rddreg [dreg:$0xe];
	[tilespmem:s0+$0x1D200] =	vst v35  }
0x284: {  	[tilespmem:s3+$0x1D200] =	vst v36  }
0x285: {  	v62 =	vld.idx.msk [tilespmem:v42+s14+$0x0], $0xffff;
	[tilespmem:s24+$0x1D200] =	vst v38  }
0x286: {  	v63 =	vld.idx.msk [tilespmem:v61+s14+$0x0], $0xffff;
	s3 =	sld [smem:$0x7E2];
	_ =	sdelay $0x2  }
0x287: {  	s29 =	sor.u32 $0xC70, s1;
	s1 =	sshrl.u32 s3, $0x3  }
0x288: {  	s30 =	sor.u32 $0xC70, s2;
	[tilespmem:s29+$0x1D200] =	vst v62;
	p0 =	sgt.s32 s1, $0x7  }
.Ltmp5:
0x289: {  	s31 =	sld [smem:$0x7E3];
	[tilespmem:s30+$0x1D200] =	vst v63;
	(pc) =	sbr.rel @p0 .LBB3_20-.Ltmp5, $3  }
0x28a: {  	s0 =	sld [smem:$0x7E6];
	_ =	sdelay $0x1  }
0x28b: {  	s2 =	sand.u32 $0xE0, s31  }
0x28c: {  	s0 =	sor.u32 s0, s2  }
0x28d: {  	p0 =	sgt.s32 s1, $0x3  }
.Ltmp6:
0x28e: {  	_ = 	snop;
	(pc) =	sbr.rel @p0 .LBB3_13-.Ltmp6, $1  }
0x28f: {  	_ =	sdelay $0x3  }
0x290: {  	p0 =	sgt.s32 s1, $0x1  }
.Ltmp7:
0x291: {  	_ = 	snop;
	(pc) =	sbr.rel @p0 .LBB3_10-.Ltmp7, $1  }
0x292: {  	_ =	sdelay $0x3  }
0x293: {  	p0 =	seq.s32 s1, $0x0  }
.Ltmp8:
0x294: {  	_ = 	snop;
	(pc) =	sbr.rel @p0 .LBB3_35-.Ltmp8, $1  }
0x295: {  	_ =	sdelay $0x3  }
0x296: {  	p0 =	seq.s32 s1, $0x1  }
.Ltmp9:
0x297: {  	_ = 	snop;
	(pc) =	sbr.rel @!p0 .LBB3_31-.Ltmp9, $1  }
0x298: {  	_ =	sdelay $0x3  }
0x299: {  	s2 =	sld [smem:$0x7FD]  }
0x29a: {  	s0 =	sshll.u32 s0, $0x6  }
0x29b: {  	s1 =	sand.u32 $0x7F800, s0  }
0x29c: {  	s29 =	simm.s32 $0x1D200;
	s30 =	simm.s32 $0x1;
	s1 =	sadd.s32 s1, s2  }
0x29d: {  	[hbm4b:s1+s14] =	stream.linear.scatter [tilespmem:s29], [sflag:$0x3], $0x2000, $0x38;
	[tilespmem:$0x1F200] =	vst v63  }
0x29e: {  	_ =	swait.ge [sflag:s30], $0x2000  }
.Ltmp10:
0x29f: {  	[sflag:s30] =	ssyncset.done $0x0;
	(pc) =	sbr.rel .LBB3_44-.Ltmp10, $4  }
0x2a0: {  	[sflag:s30] =	ssyncadd.s32 $0xFFFFE000  }
0x2a1: {  	s1 =	rddreg [dreg:$0x3]  }
0x2a2: {  	s31 =	simm.s32 $0x1B200;
	s0 =	sadd.s32 s1, s0  }
0x2a3: {  	[hbm4b:s0+s14] =	stream.linear.scatter [tilespmem:s31], [sflag:$0x2], $0x2000, $0x38;
	[tilespmem:$0x1F200] =	vst v63  }
.LBB3_20:
0x2a4: {  	p0 =	sgt.s32 s1, $0xB  }
.Ltmp11:
0x2a5: {  	_ = 	snop;
	(pc) =	sbr.rel @p0 .LBB3_28-.Ltmp11, $1  }
0x2a6: {  	_ =	sdelay $0x3  }
0x2a7: {  	p0 =	sgt.s32 s1, $0x9  }
.Ltmp12:
0x2a8: {  	_ = 	snop;
	(pc) =	sbr.rel @p0 .LBB3_25-.Ltmp12, $1  }
0x2a9: {  	_ =	sdelay $0x3  }
0x2aa: {  	p0 =	seq.s32 s1, $0x8  }
.Ltmp13:
0x2ab: {  	_ = 	snop;
	(pc) =	sbr.rel @p0 .LBB3_39-.Ltmp13, $1  }
0x2ac: {  	_ =	sdelay $0x3  }
0x2ad: {  	p0 =	seq.s32 s1, $0x9  }
.Ltmp14:
0x2ae: {  	_ = 	snop;
	(pc) =	sbr.rel @!p0 .LBB3_31-.Ltmp14, $1  }
0x2af: {  	_ =	sdelay $0x3  }
0x2b0: {  	s2 =	sld [smem:$0x7F5]  }
0x2b1: {  	s0 =	sshll.u32 s0, $0x6  }
0x2b2: {  	s1 =	sand.u32 $0x7F800, s0  }
0x2b3: {  	s29 =	simm.s32 $0x1D200;
	s30 =	simm.s32 $0x1;
	s1 =	sadd.s32 s1, s2  }
0x2b4: {  	[hbm4b:s1+s14] =	stream.linear.scatter [tilespmem:s29], [sflag:$0x3], $0x2000, $0x38;
	[tilespmem:$0x1F200] =	vst v63  }
0x2b5: {  	_ =	swait.ge [sflag:s30], $0x2000  }
.Ltmp15:
0x2b6: {  	[sflag:s30] =	ssyncset.done $0x0;
	(pc) =	sbr.rel .LBB3_44-.Ltmp15, $4  }
0x2b7: {  	[sflag:s30] =	ssyncadd.s32 $0xFFFFE000  }
0x2b8: {  	s1 =	rddreg [dreg:$0xb]  }
0x2b9: {  	s31 =	simm.s32 $0x1B200;
	s0 =	sadd.s32 s1, s0  }
0x2ba: {  	[hbm4b:s0+s14] =	stream.linear.scatter [tilespmem:s31], [sflag:$0x2], $0x2000, $0x38;
	[tilespmem:$0x1F200] =	vst v63  }
.LBB3_13:
0x2bb: {  	p0 =	sgt.s32 s1, $0x5  }
.Ltmp16:
0x2bc: {  	_ = 	snop;
	(pc) =	sbr.rel @p0 .LBB3_17-.Ltmp16, $1  }
0x2bd: {  	_ =	sdelay $0x3  }
0x2be: {  	p0 =	seq.s32 s1, $0x4  }
.Ltmp17:
0x2bf: {  	_ = 	snop;
	(pc) =	sbr.rel @p0 .LBB3_37-.Ltmp17, $1  }
0x2c0: {  	_ =	sdelay $0x3  }
0x2c1: {  	p0 =	seq.s32 s1, $0x5  }
.Ltmp18:
0x2c2: {  	_ = 	snop;
	(pc) =	sbr.rel @!p0 .LBB3_31-.Ltmp18, $1  }
0x2c3: {  	_ =	sdelay $0x3  }
0x2c4: {  	s2 =	sld [smem:$0x7F9]  }
0x2c5: {  	s0 =	sshll.u32 s0, $0x6  }
0x2c6: {  	s1 =	sand.u32 $0x7F800, s0  }
0x2c7: {  	s29 =	simm.s32 $0x1D200;
	s30 =	simm.s32 $0x1;
	s1 =	sadd.s32 s1, s2  }
0x2c8: {  	[hbm4b:s1+s14] =	stream.linear.scatter [tilespmem:s29], [sflag:$0x3], $0x2000, $0x38;
	[tilespmem:$0x1F200] =	vst v63  }
0x2c9: {  	_ =	swait.ge [sflag:s30], $0x2000  }
.Ltmp19:
0x2ca: {  	[sflag:s30] =	ssyncset.done $0x0;
	(pc) =	sbr.rel .LBB3_44-.Ltmp19, $4  }
0x2cb: {  	[sflag:s30] =	ssyncadd.s32 $0xFFFFE000  }
0x2cc: {  	s1 =	rddreg [dreg:$0x7]  }
0x2cd: {  	s31 =	simm.s32 $0x1B200;
	s0 =	sadd.s32 s1, s0  }
0x2ce: {  	[hbm4b:s0+s14] =	stream.linear.scatter [tilespmem:s31], [sflag:$0x2], $0x2000, $0x38;
	[tilespmem:$0x1F200] =	vst v63  }
.LBB3_28:
0x2cf: {  	p0 =	sgt.s32 s1, $0xD  }
.Ltmp20:
0x2d0: {  	_ = 	snop;
	(pc) =	sbr.rel @p0 .LBB3_32-.Ltmp20, $1  }
0x2d1: {  	_ =	sdelay $0x3  }
0x2d2: {  	p0 =	seq.s32 s1, $0xC  }
.Ltmp21:
0x2d3: {  	_ = 	snop;
	(pc) =	sbr.rel @p0 .LBB3_41-.Ltmp21, $1  }
0x2d4: {  	_ =	sdelay $0x3  }
0x2d5: {  	p0 =	seq.s32 s1, $0xD  }
.Ltmp22:
0x2d6: {  	_ = 	snop;
	(pc) =	sbr.rel @!p0 .LBB3_31-.Ltmp22, $1  }
0x2d7: {  	_ =	sdelay $0x3  }
0x2d8: {  	s2 =	sld [smem:$0x7F1]  }
0x2d9: {  	s0 =	sshll.u32 s0, $0x6  }
0x2da: {  	s1 =	sand.u32 $0x7F800, s0  }
0x2db: {  	s28 =	simm.s32 $0x1D200;
	s1 =	sadd.s32 s1, s2  }
0x2dc: {  	[hbm4b:s1+s14] =	stream.linear.scatter [tilespmem:s28], [sflag:$0x3], $0x2000, $0x38;
	[tilespmem:$0x1F200] =	vst v63  }
.Ltmp23:
0x2dd: {  	s29 =	simm.s32 $0x1;
	(pc) =	sbr.rel .LBB3_44-.Ltmp23, $4  }
0x2de: {  	_ =	swait.ge [sflag:s29], $0x2000  }
0x2df: {  	[sflag:s29] =	ssyncset.done $0x0;
	s30 =	rddreg [dreg:$0x1f]  }
0x2e0: {  	s31 =	simm.s32 $0x1B200;
	[sflag:s29] =	ssyncadd.s32 $0xFFFFE000;
	s0 =	sadd.s32 s30, s0  }
0x2e1: {  	[hbm4b:s0+s14] =	stream.linear.scatter [tilespmem:s31], [sflag:$0x2], $0x2000, $0x38;
	[tilespmem:$0x1F200] =	vst v63  }
.LBB3_10:
0x2e2: {  	p0 =	seq.s32 s1, $0x2  }
.Ltmp24:
0x2e3: {  	_ = 	snop;
	(pc) =	sbr.rel @p0 .LBB3_36-.Ltmp24, $1  }
0x2e4: {  	_ =	sdelay $0x3  }
0x2e5: {  	p0 =	seq.s32 s1, $0x3  }
.Ltmp25:
0x2e6: {  	_ = 	snop;
	(pc) =	sbr.rel @!p0 .LBB3_31-.Ltmp25, $1  }
0x2e7: {  	_ =	sdelay $0x3  }
0x2e8: {  	s2 =	sld [smem:$0x7FB]  }
0x2e9: {  	s0 =	sshll.u32 s0, $0x6  }
0x2ea: {  	s1 =	sand.u32 $0x7F800, s0  }
0x2eb: {  	s29 =	simm.s32 $0x1D200;
	s30 =	simm.s32 $0x1;
	s1 =	sadd.s32 s1, s2  }
0x2ec: {  	[hbm4b:s1+s14] =	stream.linear.scatter [tilespmem:s29], [sflag:$0x3], $0x2000, $0x38;
	[tilespmem:$0x1F200] =	vst v63  }
0x2ed: {  	_ =	swait.ge [sflag:s30], $0x2000  }
.Ltmp26:
0x2ee: {  	[sflag:s30] =	ssyncset.done $0x0;
	(pc) =	sbr.rel .LBB3_44-.Ltmp26, $4  }
0x2ef: {  	[sflag:s30] =	ssyncadd.s32 $0xFFFFE000  }
0x2f0: {  	s1 =	rddreg [dreg:$0x5]  }
0x2f1: {  	s31 =	simm.s32 $0x1B200;
	s0 =	sadd.s32 s1, s0  }
0x2f2: {  	[hbm4b:s0+s14] =	stream.linear.scatter [tilespmem:s31], [sflag:$0x2], $0x2000, $0x38;
	[tilespmem:$0x1F200] =	vst v63  }
.LBB3_25:
0x2f3: {  	p0 =	seq.s32 s1, $0xA  }
.Ltmp27:
0x2f4: {  	_ = 	snop;
	(pc) =	sbr.rel @p0 .LBB3_40-.Ltmp27, $1  }
0x2f5: {  	_ =	sdelay $0x3  }
0x2f6: {  	p0 =	seq.s32 s1, $0xB  }
.Ltmp28:
0x2f7: {  	_ = 	snop;
	(pc) =	sbr.rel @!p0 .LBB3_31-.Ltmp28, $1  }
0x2f8: {  	_ =	sdelay $0x3  }
0x2f9: {  	s2 =	sld [smem:$0x7F3]  }
0x2fa: {  	s0 =	sshll.u32 s0, $0x6  }
0x2fb: {  	s1 =	sand.u32 $0x7F800, s0  }
0x2fc: {  	s29 =	simm.s32 $0x1D200;
	s30 =	simm.s32 $0x1;
	s1 =	sadd.s32 s1, s2  }
0x2fd: {  	[hbm4b:s1+s14] =	stream.linear.scatter [tilespmem:s29], [sflag:$0x3], $0x2000, $0x38;
	[tilespmem:$0x1F200] =	vst v63  }
0x2fe: {  	_ =	swait.ge [sflag:s30], $0x2000  }
.Ltmp29:
0x2ff: {  	[sflag:s30] =	ssyncset.done $0x0;
	(pc) =	sbr.rel .LBB3_44-.Ltmp29, $4  }
0x300: {  	[sflag:s30] =	ssyncadd.s32 $0xFFFFE000  }
0x301: {  	s1 =	rddreg [dreg:$0xd]  }
0x302: {  	s31 =	simm.s32 $0x1B200;
	s0 =	sadd.s32 s1, s0  }
0x303: {  	[hbm4b:s0+s14] =	stream.linear.scatter [tilespmem:s31], [sflag:$0x2], $0x2000, $0x38;
	[tilespmem:$0x1F200] =	vst v63  }
.LBB3_17:
0x304: {  	p0 =	seq.s32 s1, $0x6  }
.Ltmp30:
0x305: {  	_ = 	snop;
	(pc) =	sbr.rel @p0 .LBB3_38-.Ltmp30, $1  }
0x306: {  	_ =	sdelay $0x3  }
0x307: {  	p0 =	seq.s32 s1, $0x7  }
.Ltmp31:
0x308: {  	_ = 	snop;
	(pc) =	sbr.rel @!p0 .LBB3_31-.Ltmp31, $1  }
0x309: {  	_ =	sdelay $0x3  }
0x30a: {  	s2 =	sld [smem:$0x7F7]  }
0x30b: {  	s0 =	sshll.u32 s0, $0x6  }
0x30c: {  	s1 =	sand.u32 $0x7F800, s0  }
0x30d: {  	s29 =	simm.s32 $0x1D200;
	s30 =	simm.s32 $0x1;
	s1 =	sadd.s32 s1, s2  }
0x30e: {  	[hbm4b:s1+s14] =	stream.linear.scatter [tilespmem:s29], [sflag:$0x3], $0x2000, $0x38;
	[tilespmem:$0x1F200] =	vst v63  }
0x30f: {  	_ =	swait.ge [sflag:s30], $0x2000  }
.Ltmp32:
0x310: {  	[sflag:s30] =	ssyncset.done $0x0;
	(pc) =	sbr.rel .LBB3_44-.Ltmp32, $4  }
0x311: {  	[sflag:s30] =	ssyncadd.s32 $0xFFFFE000  }
0x312: {  	s1 =	rddreg [dreg:$0x9]  }
0x313: {  	s31 =	simm.s32 $0x1B200;
	s0 =	sadd.s32 s1, s0  }
0x314: {  	[hbm4b:s0+s14] =	stream.linear.scatter [tilespmem:s31], [sflag:$0x2], $0x2000, $0x38;
	[tilespmem:$0x1F200] =	vst v63  }
.LBB3_32:
0x315: {  	p0 =	seq.s32 s1, $0xE  }
.Ltmp33:
0x316: {  	_ = 	snop;
	(pc) =	sbr.rel @p0 .LBB3_43-.Ltmp33, $1  }
0x317: {  	_ =	sdelay $0x3  }
0x318: {  	p0 =	sne.s32 s1, $0xF  }
.Ltmp34:
0x319: {  	_ = 	snop;
	(pc) =	sbr.rel @p0 .LBB3_31-.Ltmp34, $1  }
0x31a: {  	_ =	sdelay $0x3  }
0x31b: {  	s2 =	sld [smem:$0x7EE]  }
0x31c: {  	s0 =	sshll.u32 s0, $0x6  }
0x31d: {  	s1 =	sand.u32 $0x7F800, s0  }
0x31e: {  	s28 =	simm.s32 $0x1D200;
	s29 =	simm.s32 $0x1;
	s1 =	sadd.s32 s1, s2  }
0x31f: {  	[hbm4b:s1+s14] =	stream.linear.scatter [tilespmem:s28], [sflag:$0x3], $0x2000, $0x38;
	[tilespmem:$0x1F200] =	vst v63  }
0x320: {  	_ =	swait.ge [sflag:s29], $0x2000  }
.Ltmp35:
0x321: {  	s30 =	sld [smem:$0x7ED];
	(pc) =	sbr.rel .LBB3_44-.Ltmp35, $4  }
0x322: {  	_ = 	snop  }
0x323: {  	[sflag:s29] =	ssyncset.done $0x0  }
0x324: {  	s31 =	simm.s32 $0x1B200;
	[sflag:s29] =	ssyncadd.s32 $0xFFFFE000;
	s0 =	sadd.s32 s30, s0  }
0x325: {  	[hbm4b:s0+s14] =	stream.linear.scatter [tilespmem:s31], [sflag:$0x2], $0x2000, $0x38;
	[tilespmem:$0x1F200] =	vst v63  }
.LBB3_35:
0x326: {  	s2 =	sld [smem:$0x7E9]  }
0x327: {  	s0 =	sshll.u32 s0, $0x6  }
0x328: {  	s1 =	sand.u32 $0x7F800, s0  }
0x329: {  	s29 =	simm.s32 $0x1D200;
	s30 =	simm.s32 $0x1;
	s1 =	sadd.s32 s1, s2  }
0x32a: {  	[hbm4b:s1+s14] =	stream.linear.scatter [tilespmem:s29], [sflag:$0x3], $0x2000, $0x38;
	[tilespmem:$0x1F200] =	vst v63  }
0x32b: {  	_ =	swait.ge [sflag:s30], $0x2000  }
.Ltmp36:
0x32c: {  	[sflag:s30] =	ssyncset.done $0x0;
	(pc) =	sbr.rel .LBB3_44-.Ltmp36, $4  }
0x32d: {  	[sflag:s30] =	ssyncadd.s32 $0xFFFFE000  }
0x32e: {  	s1 =	rddreg [dreg:$0x2]  }
0x32f: {  	s31 =	simm.s32 $0x1B200;
	s0 =	sadd.s32 s1, s0  }
0x330: {  	[hbm4b:s0+s14] =	stream.linear.scatter [tilespmem:s31], [sflag:$0x2], $0x2000, $0x38;
	[tilespmem:$0x1F200] =	vst v63  }
.LBB3_39:
0x331: {  	s2 =	sld [smem:$0x7F6]  }
0x332: {  	s0 =	sshll.u32 s0, $0x6  }
0x333: {  	s1 =	sand.u32 $0x7F800, s0  }
0x334: {  	s29 =	simm.s32 $0x1D200;
	s30 =	simm.s32 $0x1;
	s1 =	sadd.s32 s1, s2  }
0x335: {  	[hbm4b:s1+s14] =	stream.linear.scatter [tilespmem:s29], [sflag:$0x3], $0x2000, $0x38;
	[tilespmem:$0x1F200] =	vst v63  }
0x336: {  	_ =	swait.ge [sflag:s30], $0x2000  }
.Ltmp37:
0x337: {  	[sflag:s30] =	ssyncset.done $0x0;
	(pc) =	sbr.rel .LBB3_44-.Ltmp37, $4  }
0x338: {  	[sflag:s30] =	ssyncadd.s32 $0xFFFFE000  }
0x339: {  	s1 =	rddreg [dreg:$0xa]  }
0x33a: {  	s31 =	simm.s32 $0x1B200;
	s0 =	sadd.s32 s1, s0  }
0x33b: {  	[hbm4b:s0+s14] =	stream.linear.scatter [tilespmem:s31], [sflag:$0x2], $0x2000, $0x38;
	[tilespmem:$0x1F200] =	vst v63  }
.LBB3_37:
0x33c: {  	s2 =	sld [smem:$0x7FA]  }
0x33d: {  	s0 =	sshll.u32 s0, $0x6  }
0x33e: {  	s1 =	sand.u32 $0x7F800, s0  }
0x33f: {  	s29 =	simm.s32 $0x1D200;
	s30 =	simm.s32 $0x1;
	s1 =	sadd.s32 s1, s2  }
0x340: {  	[hbm4b:s1+s14] =	stream.linear.scatter [tilespmem:s29], [sflag:$0x3], $0x2000, $0x38;
	[tilespmem:$0x1F200] =	vst v63  }
0x341: {  	_ =	swait.ge [sflag:s30], $0x2000  }
.Ltmp38:
0x342: {  	[sflag:s30] =	ssyncset.done $0x0;
	(pc) =	sbr.rel .LBB3_44-.Ltmp38, $4  }
0x343: {  	[sflag:s30] =	ssyncadd.s32 $0xFFFFE000  }
0x344: {  	s1 =	rddreg [dreg:$0x6]  }
0x345: {  	s31 =	simm.s32 $0x1B200;
	s0 =	sadd.s32 s1, s0  }
0x346: {  	[hbm4b:s0+s14] =	stream.linear.scatter [tilespmem:s31], [sflag:$0x2], $0x2000, $0x38;
	[tilespmem:$0x1F200] =	vst v63  }
.LBB3_41:
0x347: {  	s2 =	sld [smem:$0x7F2]  }
0x348: {  	s0 =	sshll.u32 s0, $0x6  }
0x349: {  	s1 =	sand.u32 $0x7F800, s0  }
0x34a: {  	s28 =	simm.s32 $0x1D200;
	s1 =	sadd.s32 s1, s2  }
0x34b: {  	[hbm4b:s1+s14] =	stream.linear.scatter [tilespmem:s28], [sflag:$0x3], $0x2000, $0x38;
	[tilespmem:$0x1F200] =	vst v63  }
.Ltmp39:
0x34c: {  	s29 =	simm.s32 $0x1;
	(pc) =	sbr.rel .LBB3_44-.Ltmp39, $4  }
0x34d: {  	_ =	swait.ge [sflag:s29], $0x2000  }
0x34e: {  	[sflag:s29] =	ssyncset.done $0x0;
	s30 =	rddreg [dreg:$0x1e]  }
0x34f: {  	s31 =	simm.s32 $0x1B200;
	[sflag:s29] =	ssyncadd.s32 $0xFFFFE000;
	s0 =	sadd.s32 s30, s0  }
0x350: {  	[hbm4b:s0+s14] =	stream.linear.scatter [tilespmem:s31], [sflag:$0x2], $0x2000, $0x38;
	[tilespmem:$0x1F200] =	vst v63  }
.LBB3_36:
0x351: {  	s2 =	sld [smem:$0x7FC]  }
0x352: {  	s0 =	sshll.u32 s0, $0x6  }
0x353: {  	s1 =	sand.u32 $0x7F800, s0  }
0x354: {  	s29 =	simm.s32 $0x1D200;
	s30 =	simm.s32 $0x1;
	s1 =	sadd.s32 s1, s2  }
0x355: {  	[hbm4b:s1+s14] =	stream.linear.scatter [tilespmem:s29], [sflag:$0x3], $0x2000, $0x38;
	[tilespmem:$0x1F200] =	vst v63  }
0x356: {  	_ =	swait.ge [sflag:s30], $0x2000  }
.Ltmp40:
0x357: {  	[sflag:s30] =	ssyncset.done $0x0;
	(pc) =	sbr.rel .LBB3_44-.Ltmp40, $4  }
0x358: {  	[sflag:s30] =	ssyncadd.s32 $0xFFFFE000  }
0x359: {  	s1 =	rddreg [dreg:$0x4]  }
0x35a: {  	s31 =	simm.s32 $0x1B200;
	s0 =	sadd.s32 s1, s0  }
0x35b: {  	[hbm4b:s0+s14] =	stream.linear.scatter [tilespmem:s31], [sflag:$0x2], $0x2000, $0x38;
	[tilespmem:$0x1F200] =	vst v63  }
.LBB3_40:
0x35c: {  	s2 =	sld [smem:$0x7F4]  }
0x35d: {  	s0 =	sshll.u32 s0, $0x6  }
0x35e: {  	s1 =	sand.u32 $0x7F800, s0  }
0x35f: {  	s29 =	simm.s32 $0x1D200;
	s30 =	simm.s32 $0x1;
	s1 =	sadd.s32 s1, s2  }
0x360: {  	[hbm4b:s1+s14] =	stream.linear.scatter [tilespmem:s29], [sflag:$0x3], $0x2000, $0x38;
	[tilespmem:$0x1F200] =	vst v63  }
0x361: {  	_ =	swait.ge [sflag:s30], $0x2000  }
.Ltmp41:
0x362: {  	[sflag:s30] =	ssyncset.done $0x0;
	(pc) =	sbr.rel .LBB3_44-.Ltmp41, $4  }
0x363: {  	[sflag:s30] =	ssyncadd.s32 $0xFFFFE000  }
0x364: {  	s1 =	rddreg [dreg:$0xc]  }
0x365: {  	s31 =	simm.s32 $0x1B200;
	s0 =	sadd.s32 s1, s0  }
0x366: {  	[hbm4b:s0+s14] =	stream.linear.scatter [tilespmem:s31], [sflag:$0x2], $0x2000, $0x38;
	[tilespmem:$0x1F200] =	vst v63  }
.LBB3_38:
0x367: {  	s2 =	sld [smem:$0x7F8]  }
0x368: {  	s0 =	sshll.u32 s0, $0x6  }
0x369: {  	s1 =	sand.u32 $0x7F800, s0  }
0x36a: {  	s29 =	simm.s32 $0x1D200;
	s30 =	simm.s32 $0x1;
	s1 =	sadd.s32 s1, s2  }
0x36b: {  	[hbm4b:s1+s14] =	stream.linear.scatter [tilespmem:s29], [sflag:$0x3], $0x2000, $0x38;
	[tilespmem:$0x1F200] =	vst v63  }
0x36c: {  	_ =	swait.ge [sflag:s30], $0x2000  }
.Ltmp42:
0x36d: {  	[sflag:s30] =	ssyncset.done $0x0;
	(pc) =	sbr.rel .LBB3_44-.Ltmp42, $4  }
0x36e: {  	[sflag:s30] =	ssyncadd.s32 $0xFFFFE000  }
0x36f: {  	s1 =	rddreg [dreg:$0x8]  }
0x370: {  	s31 =	simm.s32 $0x1B200;
	s0 =	sadd.s32 s1, s0  }
0x371: {  	[hbm4b:s0+s14] =	stream.linear.scatter [tilespmem:s31], [sflag:$0x2], $0x2000, $0x38;
	[tilespmem:$0x1F200] =	vst v63  }
.LBB3_31:
.Ltmp43:
0x372: {  	(pc) =	sbr.rel .LBB3_44-.Ltmp43, $4  }
0x373: {  	s0 =	simm.s32 $0x1  }
0x374: {  	_ =	swait.ge [sflag:s0], $0x2000  }
0x375: {  	[sflag:s0] =	ssyncset.done $0x0  }
0x376: {  	[sflag:s0] =	ssyncadd.s32 $0xFFFFE000  }
.LBB3_46:
0x377: {  	_ =	sfence.sel $0x180000  }
0x378: {  	[bflag:$0x0] =	sbarrier.arrive $0xFFFF  }
0x379: {  	_ =	strace $0x90000047  }
0x37a: {  	s0 =	stileid.u32;
	[bflag:$0x2] =	sbarrier.arrive $0xFFFF  }
0x37b: {  	p0 =	sne.s32 s0, $0x0;
	s0 =	rddreg [dreg:$0x1d]  }
0x37c: {  	s0 =	sadd.s32 @!p0 $0x100000, s0  }
0x37d: {  	[sflag:s0] =	ssyncadd.tile.s32 @!p0 $0x1;
	_ =	shalt  }
.Lfunc_end3:
_tile_overlayer_lowered:
.L_overlay_start_3:
0x37e: {  	(tag) =	ssettag $0x3  }
0x37f: {  	s0 =	rddreg [dreg:$0x0];
	s2 =	stileid.u32  }
0x380: {  	s1 =	rddreg [dreg:$0x1];
	p0 =	sne.s32 s2, $0x0  }
0x381: {  	s3 =	rddreg [dreg:$0x2];
	[bflag:$0x3] =	sbarrier.arrive $0xFFFF;
	s2 =	simm.s32 @!p0 $0x1C04  }
0x382: {  	[timem:s3], [sflag:s2] =	dma.local @!p0 [hbm:s0], s1  }
0x383: {  	s0 =	simm.s32 @!p0 $0x4  }
0x384: {  	_ =	swait.ge @!p0 [sflag:s0], s1  }
0x385: {  	s1 =	ssub.s32 @!p0 $0x0, s1;
	[sflag:s0] =	ssyncset.done @!p0 $0x0  }
0x386: {  	[sflag:s0] =	ssyncadd.s32 @!p0 s1  }
0x387: {  	[bflag:$0x3] =	sbarrier.arrive $0xFFFF  }
0x388: {  	_ =	shalt  }

</sc_bundles>
